<compile_context>
chip_gen: v7x
topology: tpu7x:2x2x1
jax: 0.10.2.dev20260603
libtpu: 0.0.44.dev20260713+nightly
codegen_flags: <defaults>
</compile_context>

<pallas_src>
import functools

import jax
import jax.numpy as jnp
from jax import lax
from jax.experimental import pallas as pl
from jax.experimental.pallas import tpu as pltpu
from jax.experimental.pallas import tpu_sc as plsc




def _mm_body(x_ref, w_ref, o_ref):
    o_ref[...] = jnp.dot(x_ref[...], w_ref[...], preferred_element_type=jnp.float32)


def _mm(x, w):
    n, d = x.shape
    return pl.pallas_call(
        _mm_body,
        out_shape=jax.ShapeDtypeStruct((n, w.shape[1]), jnp.float32),
    )(x, w)


def _mm_bias_body(x_ref, w_ref, b_ref, o_ref):
    o_ref[...] = (
        jnp.dot(x_ref[...], w_ref[...], preferred_element_type=jnp.float32)
        + b_ref[...]
    )


def _mm_bias(x, w, b, block):
    n, d = x.shape
    h = w.shape[1]
    grid = n // block
    return pl.pallas_call(
        _mm_bias_body,
        grid=(grid,),
        in_specs=[
            pl.BlockSpec((block, d), lambda i: (i, 0)),
            pl.BlockSpec((d, h), lambda i: (0, 0)),
            pl.BlockSpec((1, h), lambda i: (0, 0)),
        ],
        out_specs=pl.BlockSpec((block, h), lambda i: (i, 0)),
        out_shape=jax.ShapeDtypeStruct((n, h), jnp.float32),
    )(x, w, b.reshape(1, -1))


def _mlp_body(au_ref, af_ref, w1u_ref, b1u_ref, w2u_ref, b2u_ref,
              w1f_ref, b1f_ref, w2f_ref, b2f_ref, wc1_ref, wc2_ref, bc_ref,
              o_ref):
    f32 = jnp.float32
    hu = jnp.maximum(
        jnp.dot(au_ref[...], w1u_ref[...], preferred_element_type=f32)
        + b1u_ref[...], 0.0)
    ou = jnp.maximum(
        jnp.dot(hu, w2u_ref[...], preferred_element_type=f32) + b2u_ref[...],
        0.0)
    hf = jnp.maximum(
        jnp.dot(af_ref[...], w1f_ref[...], preferred_element_type=f32)
        + b1f_ref[...], 0.0)
    of = jnp.maximum(
        jnp.dot(hf, w2f_ref[...], preferred_element_type=f32) + b2f_ref[...],
        0.0)
    o_ref[...] = jnp.maximum(
        jnp.dot(ou, wc1_ref[...], preferred_element_type=f32)
        + jnp.dot(of, wc2_ref[...], preferred_element_type=f32)
        + bc_ref[...], 0.0)


def _mlps(acc_up, acc_f, W1u, b1u, W2u, b2u, W1f, b1f, W2f, b2f, Wc, bc,
          block):
    n, d = acc_up.shape
    h = W1u.shape[1]
    grid = n // block
    wspec = pl.BlockSpec((d, h), lambda i: (0, 0))
    bspec = pl.BlockSpec((1, h), lambda i: (0, 0))
    nspec = pl.BlockSpec((block, d), lambda i: (i, 0))
    return pl.pallas_call(
        _mlp_body,
        grid=(grid,),
        in_specs=[nspec, nspec,
                  wspec, bspec, wspec, bspec,
                  wspec, bspec, wspec, bspec,
                  wspec, wspec, bspec],
        out_specs=pl.BlockSpec((block, h), lambda i: (i, 0)),
        out_shape=jax.ShapeDtypeStruct((n, h), jnp.float32),
    )(acc_up, acc_f,
      W1u, b1u.reshape(1, -1), W2u, b2u.reshape(1, -1),
      W1f, b1f.reshape(1, -1), W2f, b2f.reshape(1, -1),
      Wc[:d], Wc[d:], bc.reshape(1, -1))



_CH = 80


def _sc_task(table, aw, x, src3, dst3):
    n, d = x.shape
    ns_chk, nch, ch = src3.shape
    e = ns_chk * nch * ch
    info = plsc.get_sparse_core_info()
    ns = info.num_subcores
    ept = e // ns
    half = n // 2
    trash = half
    rpt = (half // ns) // 8 * 8
    tail = half - ns * rpt

    mesh = plsc.VectorSubcoreMesh(core_axis_name="c", subcore_axis_name="s")

    buf_shape = pltpu.VMEM((ch, d), jnp.float32)
    scratch = [
        pltpu.VMEM((nch, ch), jnp.int32),
        pltpu.VMEM((nch, ch), jnp.int32),
        buf_shape,
        buf_shape,
        pltpu.VMEM_SHARED((half + 8, d), jnp.float32),
    ] + [pltpu.SemaphoreType.DMA] * 2

    haw = aw is not None

    @functools.partial(
        pl.kernel,
        mesh=mesh,
        out_type=jax.ShapeDtypeStruct((n, d), jnp.float32),
        scratch_types=scratch,
    )
    def k(table_hbm, aw_hbm, src_hbm, dst_hbm, x_hbm,
          out, srcb, dstb, gbuf, abuf, acc, gsem, asem):
        cid = lax.axis_index("c")
        sid = lax.axis_index("s")
        lo = cid * half
        r0 = sid * rpt
        ebase = sid * ept


        pltpu.sync_copy(x_hbm.at[pl.ds(lo + r0, rpt)],
                        acc.at[pl.ds(r0, rpt)])

        @pl.when(sid == ns - 1)
        def _init_tail():
            t = ns * rpt
            pltpu.sync_copy(x_hbm.at[pl.ds(lo + t, tail)],
                            acc.at[pl.ds(t, tail)])

        pltpu.sync_copy(src_hbm.at[sid], srcb)
        pltpu.sync_copy(dst_hbm.at[sid], dstb)

        @plsc.parallel_loop(0, nch, 1, unroll=2)
        def _clamp(c):
            for kk in range(ch // 16):
                s = pl.ds(kk * 16, 16)
                dv = dstb[c, s]
                keep = (dv >= lo) & (dv < lo + half)
                dstb[c, s] = jnp.where(keep, dv - lo, trash)

        plsc.subcore_barrier()

        @pl.loop(0, nch)
        def _(c):
            gd = pltpu.async_copy(table_hbm.at[srcb.at[c]], gbuf, gsem)
            if haw:
                ad = pltpu.async_copy(
                    aw_hbm.at[pl.ds(ebase + c * ch, ch)], abuf, asem)
            gd.wait()
            if haw:
                ad.wait()

                @plsc.parallel_loop(0, ch, 1, unroll=4)
                def _(r):
                    for kk in range(d // 16):
                        s = pl.ds(kk * 16, 16)
                        abuf[r, s] = jnp.maximum(
                            abuf[r, s] + gbuf[r, s], 0.0)

                pltpu.sync_copy(abuf, acc.at[dstb.at[c]], add=True)
            else:
                pltpu.sync_copy(gbuf, acc.at[dstb.at[c]], add=True)

        plsc.subcore_barrier()

        pltpu.sync_copy(acc.at[pl.ds(r0, rpt)],
                        out.at[pl.ds(lo + r0, rpt)])

        @pl.when(sid == ns - 1)
        def _flush_tail():
            t = ns * rpt
            pltpu.sync_copy(acc.at[pl.ds(t, tail)],
                            out.at[pl.ds(lo + t, tail)])

        plsc.subcore_barrier()

    return k(table, aw if haw else table, src3, dst3, x)




def _idx3(idx, ns, nch, ch):
    return idx[0].reshape(ns, nch, ch), idx[1].reshape(ns, nch, ch)


def kernel(x, up_index, up_attr, face_index, face_attr,
           W_msg, b_msg, W1u, b1u, W2u, b2u, W1f, b1f, W2f, b2f, Wc, bc):
    n, d = x.shape
    e = up_attr.shape[0]

    ns = plsc.get_sparse_core_info().num_subcores
    nch = e // (ns * _CH)
    usrc3, udst3 = _idx3(up_index, ns, nch, _CH)
    fsrc3, fdst3 = _idx3(face_index, ns, nch, _CH)

    xw = _mm(x, W_msg[:d])
    aw = _mm_bias(up_attr, W_msg[d:], b_msg, block=2000)

    acc_f = _sc_task(face_attr, None, x, fsrc3, fdst3)
    acc_up = _sc_task(xw, aw, x, usrc3, udst3)

    return _mlps(acc_up, acc_f, W1u, b1u, W2u, b2u, W1f, b1f, W2f, b2f,
                 Wc, bc, block=1000)

# --- scband reference (transcript-rebuilt; emitter-appended) ---
"""Pipeline reference for scband-sparse-sinconv-26121991094591 (READ-ONLY COPY).

The authoritative reference and input builder live on the scoring server;
editing this copy changes nothing except your own understanding.
"""

import jax, jax.numpy as jnp
import numpy as np

N = 10000
E = 320000
D = 128
H = 128
EPS1 = 0.0
EPS2 = 0.0


def _glorot(key, shape):
    fan_in = shape[0]
    return jax.random.normal(key, shape, dtype=jnp.float32) * (1.0 / np.sqrt(fan_in))


def setup_inputs(seed: int = 0) -> dict:
    key = jax.random.key(seed)
    ks = jax.random.split(key, 16)
    x = jax.random.normal(ks[0], (N, D), dtype=jnp.float32)
    up_index = jax.random.randint(ks[1], (2, E), 0, N, dtype=jnp.int32)
    up_attr = jax.random.normal(ks[2], (E, D), dtype=jnp.float32)
    face_index = jax.random.randint(ks[3], (2, E), 0, N, dtype=jnp.int32)
    face_attr = jax.random.normal(ks[4], (N, D), dtype=jnp.float32)
    # msg_up_nn: Catter() -> Linear(2D, D) -> ReLU
    W_msg = _glorot(ks[5], (2 * D, D))
    b_msg = jnp.zeros((D,), dtype=jnp.float32)
    # update_up_nn: Linear(D,H) -> ReLU -> Linear(H,H) -> ReLU (apply_norm=False)
    W1u = _glorot(ks[6], (D, H)); b1u = jnp.zeros((H,), dtype=jnp.float32)
    W2u = _glorot(ks[7], (H, H)); b2u = jnp.zeros((H,), dtype=jnp.float32)
    # update_faces_nn: Linear(D,H) -> ReLU -> Linear(H,H) -> ReLU
    W1f = _glorot(ks[8], (D, H)); b1f = jnp.zeros((H,), dtype=jnp.float32)
    W2f = _glorot(ks[9], (H, H)); b2f = jnp.zeros((H,), dtype=jnp.float32)
    # combine_nn: Linear(2H, H) -> ReLU
    Wc = _glorot(ks[10], (2 * H, H)); bc = jnp.zeros((H,), dtype=jnp.float32)
    return {
        "x": x, "up_index": up_index, "up_attr": up_attr,
        "face_index": face_index, "face_attr": face_attr,
        "W_msg": W_msg, "b_msg": b_msg,
        "W1u": W1u, "b1u": b1u, "W2u": W2u, "b2u": b2u,
        "W1f": W1f, "b1f": b1f, "W2f": W2f, "b2f": b2f,
        "Wc": Wc, "bc": bc,
    }


def reference(x, up_index, up_attr, face_index, face_attr,
              W_msg, b_msg, W1u, b1u, W2u, b2u, W1f, b1f, W2f, b2f, Wc, bc):
    # --- up message passing: msg_up_nn((up_x_j, up_attr)) scatter-summed at dst ---
    up_x_j = jnp.take(x, up_index[0], axis=0)                      # gather [E, D]
    m_up = jax.nn.relu(jnp.concatenate([up_x_j, up_attr], axis=-1) @ W_msg + b_msg)
    out_up = jnp.zeros((N, H), dtype=jnp.float32).at[up_index[1]].add(m_up)
    # --- face message passing: identity msg_faces_nn, scatter-sum ---
    m_face = jnp.take(face_attr, face_index[0], axis=0)            # gather [E, D]
    out_faces = jnp.zeros((N, D), dtype=jnp.float32).at[face_index[1]].add(m_face)
    # --- GIN-style self term ---
    out_up = out_up + (1.0 + EPS1) * x
    out_faces = out_faces + (1.0 + EPS2) * x
    # --- update MLPs ---
    out_up = jax.nn.relu(jax.nn.relu(out_up @ W1u + b1u) @ W2u + b2u)
    out_faces = jax.nn.relu(jax.nn.relu(out_faces @ W1f + b1f) @ W2f + b2f)
    # --- combine ---
    out = jax.nn.relu(jnp.concatenate([out_up, out_faces], axis=-1) @ Wc + bc)
    return out

if __name__ == "__main__":
    import jax
    _d = setup_inputs()
    print(jax.jit(kernel)(*tuple(_d.values())))

</pallas_src>

<mosaic_0001>
#map = affine_map<(d0, d1) -> (0, 0)>
#map1 = affine_map<(d0, d1) -> (0, 0, 0)>
module attributes {stable_mosaic.version = 14 : i64} {
  func.func @k(%arg0: i32, %arg1: i32, %arg2: memref<10000x128xf32, #tpu.memory_space<hbm>>, %arg3: memref<10000x128xf32, #tpu.memory_space<hbm>>, %arg4: memref<16x250x80xi32, #tpu.memory_space<hbm>>, %arg5: memref<16x250x80xi32, #tpu.memory_space<hbm>>, %arg6: memref<10000x128xf32, #tpu.memory_space<hbm>>, %arg7: memref<10000x128xf32, #tpu.memory_space<hbm>>, %arg8: memref<250x80xi32, #tpu.memory_space<vmem>>, %arg9: memref<250x80xi32, #tpu.memory_space<vmem>>, %arg10: memref<80x128xf32, #tpu.memory_space<vmem>>, %arg11: memref<80x128xf32, #tpu.memory_space<vmem>>, %arg12: memref<5008x128xf32, #tpu.memory_space<vmem_shared>>, %arg13: memref<!tpu.dma_semaphore, #tpu.memory_space<semaphore_mem>>, %arg14: memref<!tpu.dma_semaphore, #tpu.memory_space<semaphore_mem>>) attributes {dimension_semantics = [#tpu.dimension_semantics<core_parallel>, #tpu.dimension_semantics<subcore_parallel>], iteration_bounds = array<i64: 2, 16>, scalar_prefetch = 0 : i64, scratch_operands = 7 : i64, tpu.core_type = #tpu.core_type<sc_vector_subcore>, window_params = [{transform_indices = #map}, {transform_indices = #map}, {transform_indices = #map1}, {transform_indices = #map1}, {transform_indices = #map}, {transform_indices = #map}]} {
    %mul3A = arith.constant 5000 : i32
    %mul3A_0 = arith.muli %arg0, %mul3A : i32
    %mul3A_1 = arith.constant 312 : i32
    %mul3A_2 = arith.muli %arg1, %mul3A_1 : i32
    %mul3A_3 = arith.constant 20000 : i32
    %mul3A_4 = arith.muli %arg1, %mul3A_3 : i32
    %add3A = arith.addi %mul3A_0, %mul3A_2 : i32
    "tpu.region"() ({
      %run_scoped3A = tpu.sem_alloc : memref<!tpu.dma_semaphore, #tpu.memory_space<semaphore_mem>>
      %dma_start3A = arith.constant 0 : i32
      %dma_start3A_21 = tpu.memref_slice %arg12[%mul3A_2, %dma_start3A] : memref<5008x128xf32, #tpu.memory_space<vmem_shared>> -> memref<312x128xf32, #tpu.memory_space<vmem_shared>>
      %dma_start3A_22 = arith.constant 0 : i32
      %dma_start3A_23 = tpu.memref_slice %arg6[%add3A, %dma_start3A_22] : memref<10000x128xf32, #tpu.memory_space<hbm>> -> memref<312x128xf32, #tpu.memory_space<hbm>>
      tpu.enqueue_dma source(%dma_start3A_23 : memref<312x128xf32, #tpu.memory_space<hbm>>) target(%dma_start3A_21 : memref<312x128xf32, #tpu.memory_space<vmem_shared>>) target_semaphore(%run_scoped3A : memref<!tpu.dma_semaphore, #tpu.memory_space<semaphore_mem>>)
      %dma_wait3A = arith.constant 0 : i32
      %dma_wait3A_24 = tpu.memref_slice %arg12[%mul3A_2, %dma_wait3A] : memref<5008x128xf32, #tpu.memory_space<vmem_shared>> -> memref<312x128xf32, #tpu.memory_space<vmem_shared>>
      %dma_wait3A_25 = arith.constant 0 : i32
      %dma_wait3A_26 = tpu.memref_slice %arg6[%add3A, %dma_wait3A_25] : memref<10000x128xf32, #tpu.memory_space<hbm>> -> memref<312x128xf32, #tpu.memory_space<hbm>>
      tpu.wait_dma2 semaphore(%run_scoped3A : memref<!tpu.dma_semaphore, #tpu.memory_space<semaphore_mem>>) src(%dma_wait3A_26 : memref<312x128xf32, #tpu.memory_space<hbm>>) dst(%dma_wait3A_24 : memref<312x128xf32, #tpu.memory_space<vmem_shared>>)
      tpu.yield
    }) : () -> ()
    %eq3A = arith.constant 15 : i32
    %eq3A_5 = arith.cmpi eq, %arg1, %eq3A : i32
    %convert_element_type3A = arith.extui %eq3A_5 : i1 to i32
    %cond3A = arith.constant 0 : i32
    %cond3A_6 = arith.cmpi ne, %convert_element_type3A, %cond3A : i32
    scf.if %cond3A_6 {
      %add3A_21 = arith.constant 4992 : i32
      %add3A_22 = arith.addi %mul3A_0, %add3A_21 : i32
      "tpu.region"() ({
        %run_scoped3A = tpu.sem_alloc : memref<!tpu.dma_semaphore, #tpu.memory_space<semaphore_mem>>
        %dma_start3A = arith.constant 4992 : i32
        %dma_start3A_23 = arith.constant 0 : i32
        %dma_start3A_24 = tpu.memref_slice %arg12[%dma_start3A, %dma_start3A_23] : memref<5008x128xf32, #tpu.memory_space<vmem_shared>> -> memref<8x128xf32, #tpu.memory_space<vmem_shared>>
        %dma_start3A_25 = arith.constant 0 : i32
        %dma_start3A_26 = tpu.memref_slice %arg6[%add3A_22, %dma_start3A_25] : memref<10000x128xf32, #tpu.memory_space<hbm>> -> memref<8x128xf32, #tpu.memory_space<hbm>>
        tpu.enqueue_dma source(%dma_start3A_26 : memref<8x128xf32, #tpu.memory_space<hbm>>) target(%dma_start3A_24 : memref<8x128xf32, #tpu.memory_space<vmem_shared>>) target_semaphore(%run_scoped3A : memref<!tpu.dma_semaphore, #tpu.memory_space<semaphore_mem>>)
        %dma_wait3A = arith.constant 4992 : i32
        %dma_wait3A_27 = arith.constant 0 : i32
        %dma_wait3A_28 = tpu.memref_slice %arg12[%dma_wait3A, %dma_wait3A_27] : memref<5008x128xf32, #tpu.memory_space<vmem_shared>> -> memref<8x128xf32, #tpu.memory_space<vmem_shared>>
        %dma_wait3A_29 = arith.constant 0 : i32
        %dma_wait3A_30 = tpu.memref_slice %arg6[%add3A_22, %dma_wait3A_29] : memref<10000x128xf32, #tpu.memory_space<hbm>> -> memref<8x128xf32, #tpu.memory_space<hbm>>
        tpu.wait_dma2 semaphore(%run_scoped3A : memref<!tpu.dma_semaphore, #tpu.memory_space<semaphore_mem>>) src(%dma_wait3A_30 : memref<8x128xf32, #tpu.memory_space<hbm>>) dst(%dma_wait3A_28 : memref<8x128xf32, #tpu.memory_space<vmem_shared>>)
        tpu.yield
      }) : () -> ()
    } else {
    }
    "tpu.region"() ({
      %run_scoped3A = tpu.sem_alloc : memref<!tpu.dma_semaphore, #tpu.memory_space<semaphore_mem>>
      %dma_start3A = arith.constant 0 : i32
      %dma_start3A_21 = arith.constant 0 : i32
      %dma_start3A_22 = tpu.memref_slice %arg4[%arg1, %dma_start3A, %dma_start3A_21] : memref<16x250x80xi32, #tpu.memory_space<hbm>> -> memref<1x250x80xi32, #tpu.memory_space<hbm>>
      %dma_start3A_23 = tpu.memref_squeeze %dma_start3A_22 : memref<1x250x80xi32, #tpu.memory_space<hbm>> -> memref<250x80xi32, #tpu.memory_space<hbm>>
      %dma_start3A_24 = arith.constant 0 : i32
      %dma_start3A_25 = arith.constant 0 : i32
      %dma_start3A_26 = tpu.memref_slice %arg4[%arg1, %dma_start3A_24, %dma_start3A_25] : memref<16x250x80xi32, #tpu.memory_space<hbm>> -> memref<1x250x80xi32, #tpu.memory_space<hbm>>
      %dma_start3A_27 = tpu.memref_squeeze %dma_start3A_26 : memref<1x250x80xi32, #tpu.memory_space<hbm>> -> memref<250x80xi32, #tpu.memory_space<hbm>>
      tpu.enqueue_dma source(%dma_start3A_27 : memref<250x80xi32, #tpu.memory_space<hbm>>) target(%arg8 : memref<250x80xi32, #tpu.memory_space<vmem>>) target_semaphore(%run_scoped3A : memref<!tpu.dma_semaphore, #tpu.memory_space<semaphore_mem>>)
      %dma_wait3A = arith.constant 0 : i32
      %dma_wait3A_28 = arith.constant 0 : i32
      %dma_wait3A_29 = tpu.memref_slice %arg4[%arg1, %dma_wait3A, %dma_wait3A_28] : memref<16x250x80xi32, #tpu.memory_space<hbm>> -> memref<1x250x80xi32, #tpu.memory_space<hbm>>
      %dma_wait3A_30 = tpu.memref_squeeze %dma_wait3A_29 : memref<1x250x80xi32, #tpu.memory_space<hbm>> -> memref<250x80xi32, #tpu.memory_space<hbm>>
      %dma_wait3A_31 = arith.constant 0 : i32
      %dma_wait3A_32 = arith.constant 0 : i32
      %dma_wait3A_33 = tpu.memref_slice %arg4[%arg1, %dma_wait3A_31, %dma_wait3A_32] : memref<16x250x80xi32, #tpu.memory_space<hbm>> -> memref<1x250x80xi32, #tpu.memory_space<hbm>>
      %dma_wait3A_34 = tpu.memref_squeeze %dma_wait3A_33 : memref<1x250x80xi32, #tpu.memory_space<hbm>> -> memref<250x80xi32, #tpu.memory_space<hbm>>
      tpu.wait_dma2 semaphore(%run_scoped3A : memref<!tpu.dma_semaphore, #tpu.memory_space<semaphore_mem>>) src(%dma_wait3A_34 : memref<250x80xi32, #tpu.memory_space<hbm>>) dst(%arg8 : memref<250x80xi32, #tpu.memory_space<vmem>>)
      tpu.yield
    }) : () -> ()
    "tpu.region"() ({
      %run_scoped3A = tpu.sem_alloc : memref<!tpu.dma_semaphore, #tpu.memory_space<semaphore_mem>>
      %dma_start3A = arith.constant 0 : i32
      %dma_start3A_21 = arith.constant 0 : i32
      %dma_start3A_22 = tpu.memref_slice %arg5[%arg1, %dma_start3A, %dma_start3A_21] : memref<16x250x80xi32, #tpu.memory_space<hbm>> -> memref<1x250x80xi32, #tpu.memory_space<hbm>>
      %dma_start3A_23 = tpu.memref_squeeze %dma_start3A_22 : memref<1x250x80xi32, #tpu.memory_space<hbm>> -> memref<250x80xi32, #tpu.memory_space<hbm>>
      %dma_start3A_24 = arith.constant 0 : i32
      %dma_start3A_25 = arith.constant 0 : i32
      %dma_start3A_26 = tpu.memref_slice %arg5[%arg1, %dma_start3A_24, %dma_start3A_25] : memref<16x250x80xi32, #tpu.memory_space<hbm>> -> memref<1x250x80xi32, #tpu.memory_space<hbm>>
      %dma_start3A_27 = tpu.memref_squeeze %dma_start3A_26 : memref<1x250x80xi32, #tpu.memory_space<hbm>> -> memref<250x80xi32, #tpu.memory_space<hbm>>
      tpu.enqueue_dma source(%dma_start3A_27 : memref<250x80xi32, #tpu.memory_space<hbm>>) target(%arg9 : memref<250x80xi32, #tpu.memory_space<vmem>>) target_semaphore(%run_scoped3A : memref<!tpu.dma_semaphore, #tpu.memory_space<semaphore_mem>>)
      %dma_wait3A = arith.constant 0 : i32
      %dma_wait3A_28 = arith.constant 0 : i32
      %dma_wait3A_29 = tpu.memref_slice %arg5[%arg1, %dma_wait3A, %dma_wait3A_28] : memref<16x250x80xi32, #tpu.memory_space<hbm>> -> memref<1x250x80xi32, #tpu.memory_space<hbm>>
      %dma_wait3A_30 = tpu.memref_squeeze %dma_wait3A_29 : memref<1x250x80xi32, #tpu.memory_space<hbm>> -> memref<250x80xi32, #tpu.memory_space<hbm>>
      %dma_wait3A_31 = arith.constant 0 : i32
      %dma_wait3A_32 = arith.constant 0 : i32
      %dma_wait3A_33 = tpu.memref_slice %arg5[%arg1, %dma_wait3A_31, %dma_wait3A_32] : memref<16x250x80xi32, #tpu.memory_space<hbm>> -> memref<1x250x80xi32, #tpu.memory_space<hbm>>
      %dma_wait3A_34 = tpu.memref_squeeze %dma_wait3A_33 : memref<1x250x80xi32, #tpu.memory_space<hbm>> -> memref<250x80xi32, #tpu.memory_space<hbm>>
      tpu.wait_dma2 semaphore(%run_scoped3A : memref<!tpu.dma_semaphore, #tpu.memory_space<semaphore_mem>>) src(%dma_wait3A_34 : memref<250x80xi32, #tpu.memory_space<hbm>>) dst(%arg9 : memref<250x80xi32, #tpu.memory_space<vmem>>)
      tpu.yield
    }) : () -> ()
    %parallel_loop3A = arith.constant 0 : i32
    %parallel_loop3A_7 = arith.constant 250 : i32
    %parallel_loop3A_8 = arith.constant 1 : i32
    scf.for %parallel_loop3A_21 = %parallel_loop3A to %parallel_loop3A_7 step %parallel_loop3A_8  : i32 {
      %parallel_loop3A_22 = arith.index_cast %parallel_loop3A_21 : i32 to index
      %parallel_loop3A_23 = arith.constant 0 : index
      %parallel_loop3A_24 = tpu.vector_load %arg9[%parallel_loop3A_22, %parallel_loop3A_23] {strides = array<i32>} : memref<250x80xi32, #tpu.memory_space<vmem>>, vector<1x16xi32>,
      %parallel_loop3A_25 = vector.shape_cast %parallel_loop3A_24 : vector<1x16xi32> to vector<16xi32>
      %parallel_loop3A_26 = vector.broadcast %mul3A_0 : i32 to vector<16xi32>
      %parallel_loop3A_27 = arith.cmpi sge, %parallel_loop3A_25, %parallel_loop3A_26 : vector<16xi32>
      %parallel_loop3A_28 = arith.constant 5000 : i32
      %parallel_loop3A_29 = arith.addi %mul3A_0, %parallel_loop3A_28 : i32
      %parallel_loop3A_30 = vector.broadcast %parallel_loop3A_29 : i32 to vector<16xi32>
      %parallel_loop3A_31 = arith.cmpi slt, %parallel_loop3A_25, %parallel_loop3A_30 : vector<16xi32>
      %parallel_loop3A_32 = arith.andi %parallel_loop3A_27, %parallel_loop3A_31 : vector<16xi1>
      %parallel_loop3A_33 = vector.broadcast %mul3A_0 : i32 to vector<16xi32>
      %parallel_loop3A_34 = arith.subi %parallel_loop3A_25, %parallel_loop3A_33 : vector<16xi32>
      %parallel_loop3A_35 = arith.constant 5000 : i32
      %parallel_loop3A_36 = vector.broadcast %parallel_loop3A_35 : i32 to vector<16xi32>
      %parallel_loop3A_37 = arith.select %parallel_loop3A_32, %parallel_loop3A_34, %parallel_loop3A_36 : vector<16xi1>, vector<16xi32>
      %parallel_loop3A_38 = arith.index_cast %parallel_loop3A_21 : i32 to index
      %parallel_loop3A_39 = arith.constant 0 : index
      %parallel_loop3A_40 = tpu.vector_load %arg9[%parallel_loop3A_38, %parallel_loop3A_39] {strides = array<i32>} : memref<250x80xi32, #tpu.memory_space<vmem>>, vector<1x16xi32>,
      %parallel_loop3A_41 = vector.shape_cast %parallel_loop3A_40 : vector<1x16xi32> to vector<16xi32>
      %parallel_loop3A_42 = vector.shape_cast %parallel_loop3A_37 : vector<16xi32> to vector<1x16xi32>
      tpu.vector_store %arg9[%parallel_loop3A_38, %parallel_loop3A_39], %parallel_loop3A_42 {strides = array<i32>} : memref<250x80xi32, #tpu.memory_space<vmem>>, vector<1x16xi32>,
      %parallel_loop3A_43 = arith.index_cast %parallel_loop3A_21 : i32 to index
      %parallel_loop3A_44 = arith.constant 16 : index
      %parallel_loop3A_45 = tpu.vector_load %arg9[%parallel_loop3A_43, %parallel_loop3A_44] {strides = array<i32>} : memref<250x80xi32, #tpu.memory_space<vmem>>, vector<1x16xi32>,
      %parallel_loop3A_46 = vector.shape_cast %parallel_loop3A_45 : vector<1x16xi32> to vector<16xi32>
      %parallel_loop3A_47 = vector.broadcast %mul3A_0 : i32 to vector<16xi32>
      %parallel_loop3A_48 = arith.cmpi sge, %parallel_loop3A_46, %parallel_loop3A_47 : vector<16xi32>
      %parallel_loop3A_49 = arith.constant 5000 : i32
      %parallel_loop3A_50 = arith.addi %mul3A_0, %parallel_loop3A_49 : i32
      %parallel_loop3A_51 = vector.broadcast %parallel_loop3A_50 : i32 to vector<16xi32>
      %parallel_loop3A_52 = arith.cmpi slt, %parallel_loop3A_46, %parallel_loop3A_51 : vector<16xi32>
      %parallel_loop3A_53 = arith.andi %parallel_loop3A_48, %parallel_loop3A_52 : vector<16xi1>
      %parallel_loop3A_54 = vector.broadcast %mul3A_0 : i32 to vector<16xi32>
      %parallel_loop3A_55 = arith.subi %parallel_loop3A_46, %parallel_loop3A_54 : vector<16xi32>
      %parallel_loop3A_56 = arith.constant 5000 : i32
      %parallel_loop3A_57 = vector.broadcast %parallel_loop3A_56 : i32 to vector<16xi32>
      %parallel_loop3A_58 = arith.select %parallel_loop3A_53, %parallel_loop3A_55, %parallel_loop3A_57 : vector<16xi1>, vector<16xi32>
      %parallel_loop3A_59 = arith.index_cast %parallel_loop3A_21 : i32 to index
      %parallel_loop3A_60 = arith.constant 16 : index
      %parallel_loop3A_61 = tpu.vector_load %arg9[%parallel_loop3A_59, %parallel_loop3A_60] {strides = array<i32>} : memref<250x80xi32, #tpu.memory_space<vmem>>, vector<1x16xi32>,
      %parallel_loop3A_62 = vector.shape_cast %parallel_loop3A_61 : vector<1x16xi32> to vector<16xi32>
      %parallel_loop3A_63 = vector.shape_cast %parallel_loop3A_58 : vector<16xi32> to vector<1x16xi32>
      tpu.vector_store %arg9[%parallel_loop3A_59, %parallel_loop3A_60], %parallel_loop3A_63 {strides = array<i32>} : memref<250x80xi32, #tpu.memory_space<vmem>>, vector<1x16xi32>,
      %parallel_loop3A_64 = arith.index_cast %parallel_loop3A_21 : i32 to index
      %parallel_loop3A_65 = arith.constant 32 : index
      %parallel_loop3A_66 = tpu.vector_load %arg9[%parallel_loop3A_64, %parallel_loop3A_65] {strides = array<i32>} : memref<250x80xi32, #tpu.memory_space<vmem>>, vector<1x16xi32>,
      %parallel_loop3A_67 = vector.shape_cast %parallel_loop3A_66 : vector<1x16xi32> to vector<16xi32>
      %parallel_loop3A_68 = vector.broadcast %mul3A_0 : i32 to vector<16xi32>
      %parallel_loop3A_69 = arith.cmpi sge, %parallel_loop3A_67, %parallel_loop3A_68 : vector<16xi32>
      %parallel_loop3A_70 = arith.constant 5000 : i32
      %parallel_loop3A_71 = arith.addi %mul3A_0, %parallel_loop3A_70 : i32
      %parallel_loop3A_72 = vector.broadcast %parallel_loop3A_71 : i32 to vector<16xi32>
      %parallel_loop3A_73 = arith.cmpi slt, %parallel_loop3A_67, %parallel_loop3A_72 : vector<16xi32>
      %parallel_loop3A_74 = arith.andi %parallel_loop3A_69, %parallel_loop3A_73 : vector<16xi1>
      %parallel_loop3A_75 = vector.broadcast %mul3A_0 : i32 to vector<16xi32>
      %parallel_loop3A_76 = arith.subi %parallel_loop3A_67, %parallel_loop3A_75 : vector<16xi32>
      %parallel_loop3A_77 = arith.constant 5000 : i32
      %parallel_loop3A_78 = vector.broadcast %parallel_loop3A_77 : i32 to vector<16xi32>
      %parallel_loop3A_79 = arith.select %parallel_loop3A_74, %parallel_loop3A_76, %parallel_loop3A_78 : vector<16xi1>, vector<16xi32>
      %parallel_loop3A_80 = arith.index_cast %parallel_loop3A_21 : i32 to index
      %parallel_loop3A_81 = arith.constant 32 : index
      %parallel_loop3A_82 = tpu.vector_load %arg9[%parallel_loop3A_80, %parallel_loop3A_81] {strides = array<i32>} : memref<250x80xi32, #tpu.memory_space<vmem>>, vector<1x16xi32>,
      %parallel_loop3A_83 = vector.shape_cast %parallel_loop3A_82 : vector<1x16xi32> to vector<16xi32>
      %parallel_loop3A_84 = vector.shape_cast %parallel_loop3A_79 : vector<16xi32> to vector<1x16xi32>
      tpu.vector_store %arg9[%parallel_loop3A_80, %parallel_loop3A_81], %parallel_loop3A_84 {strides = array<i32>} : memref<250x80xi32, #tpu.memory_space<vmem>>, vector<1x16xi32>,
      %parallel_loop3A_85 = arith.index_cast %parallel_loop3A_21 : i32 to index
      %parallel_loop3A_86 = arith.constant 48 : index
      %parallel_loop3A_87 = tpu.vector_load %arg9[%parallel_loop3A_85, %parallel_loop3A_86] {strides = array<i32>} : memref<250x80xi32, #tpu.memory_space<vmem>>, vector<1x16xi32>,
      %parallel_loop3A_88 = vector.shape_cast %parallel_loop3A_87 : vector<1x16xi32> to vector<16xi32>
      %parallel_loop3A_89 = vector.broadcast %mul3A_0 : i32 to vector<16xi32>
      %parallel_loop3A_90 = arith.cmpi sge, %parallel_loop3A_88, %parallel_loop3A_89 : vector<16xi32>
      %parallel_loop3A_91 = arith.constant 5000 : i32
      %parallel_loop3A_92 = arith.addi %mul3A_0, %parallel_loop3A_91 : i32
      %parallel_loop3A_93 = vector.broadcast %parallel_loop3A_92 : i32 to vector<16xi32>
      %parallel_loop3A_94 = arith.cmpi slt, %parallel_loop3A_88, %parallel_loop3A_93 : vector<16xi32>
      %parallel_loop3A_95 = arith.andi %parallel_loop3A_90, %parallel_loop3A_94 : vector<16xi1>
      %parallel_loop3A_96 = vector.broadcast %mul3A_0 : i32 to vector<16xi32>
      %parallel_loop3A_97 = arith.subi %parallel_loop3A_88, %parallel_loop3A_96 : vector<16xi32>
      %parallel_loop3A_98 = arith.constant 5000 : i32
      %parallel_loop3A_99 = vector.broadcast %parallel_loop3A_98 : i32 to vector<16xi32>
      %parallel_loop3A_100 = arith.select %parallel_loop3A_95, %parallel_loop3A_97, %parallel_loop3A_99 : vector<16xi1>, vector<16xi32>
      %parallel_loop3A_101 = arith.index_cast %parallel_loop3A_21 : i32 to index
      %parallel_loop3A_102 = arith.constant 48 : index
      %parallel_loop3A_103 = tpu.vector_load %arg9[%parallel_loop3A_101, %parallel_loop3A_102] {strides = array<i32>} : memref<250x80xi32, #tpu.memory_space<vmem>>, vector<1x16xi32>,
      %parallel_loop3A_104 = vector.shape_cast %parallel_loop3A_103 : vector<1x16xi32> to vector<16xi32>
      %parallel_loop3A_105 = vector.shape_cast %parallel_loop3A_100 : vector<16xi32> to vector<1x16xi32>
      tpu.vector_store %arg9[%parallel_loop3A_101, %parallel_loop3A_102], %parallel_loop3A_105 {strides = array<i32>} : memref<250x80xi32, #tpu.memory_space<vmem>>, vector<1x16xi32>,
      %parallel_loop3A_106 = arith.index_cast %parallel_loop3A_21 : i32 to index
      %parallel_loop3A_107 = arith.constant 64 : index
      %parallel_loop3A_108 = tpu.vector_load %arg9[%parallel_loop3A_106, %parallel_loop3A_107] {strides = array<i32>} : memref<250x80xi32, #tpu.memory_space<vmem>>, vector<1x16xi32>,
      %parallel_loop3A_109 = vector.shape_cast %parallel_loop3A_108 : vector<1x16xi32> to vector<16xi32>
      %parallel_loop3A_110 = vector.broadcast %mul3A_0 : i32 to vector<16xi32>
      %parallel_loop3A_111 = arith.cmpi sge, %parallel_loop3A_109, %parallel_loop3A_110 : vector<16xi32>
      %parallel_loop3A_112 = arith.constant 5000 : i32
      %parallel_loop3A_113 = arith.addi %mul3A_0, %parallel_loop3A_112 : i32
      %parallel_loop3A_114 = vector.broadcast %parallel_loop3A_113 : i32 to vector<16xi32>
      %parallel_loop3A_115 = arith.cmpi slt, %parallel_loop3A_109, %parallel_loop3A_114 : vector<16xi32>
      %parallel_loop3A_116 = arith.andi %parallel_loop3A_111, %parallel_loop3A_115 : vector<16xi1>
      %parallel_loop3A_117 = vector.broadcast %mul3A_0 : i32 to vector<16xi32>
      %parallel_loop3A_118 = arith.subi %parallel_loop3A_109, %parallel_loop3A_117 : vector<16xi32>
      %parallel_loop3A_119 = arith.constant 5000 : i32
      %parallel_loop3A_120 = vector.broadcast %parallel_loop3A_119 : i32 to vector<16xi32>
      %parallel_loop3A_121 = arith.select %parallel_loop3A_116, %parallel_loop3A_118, %parallel_loop3A_120 : vector<16xi1>, vector<16xi32>
      %parallel_loop3A_122 = arith.index_cast %parallel_loop3A_21 : i32 to index
      %parallel_loop3A_123 = arith.constant 64 : index
      %parallel_loop3A_124 = tpu.vector_load %arg9[%parallel_loop3A_122, %parallel_loop3A_123] {strides = array<i32>} : memref<250x80xi32, #tpu.memory_space<vmem>>, vector<1x16xi32>,
      %parallel_loop3A_125 = vector.shape_cast %parallel_loop3A_124 : vector<1x16xi32> to vector<16xi32>
      %parallel_loop3A_126 = vector.shape_cast %parallel_loop3A_121 : vector<16xi32> to vector<1x16xi32>
      tpu.vector_store %arg9[%parallel_loop3A_122, %parallel_loop3A_123], %parallel_loop3A_126 {strides = array<i32>} : memref<250x80xi32, #tpu.memory_space<vmem>>, vector<1x16xi32>,
    } {sc.loop_unroll_factor = 2 : i64, sc.parallel_access}
    %barrier3A = arith.constant 0 : index
    tpu.barrier barrier_id(%barrier3A)
    %scan3A = arith.constant 0 : i32
    %scan3A_9 = arith.constant 250 : i32
    %scan3A_10 = arith.addi %scan3A, %scan3A_9 : i32
    %scan3A_11 = arith.constant 1 : i32
    scf.for %scan3A_21 = %scan3A to %scan3A_10 step %scan3A_11  : i32 {
      %mul3A_22 = arith.constant 1 : i32
      %mul3A_23 = arith.muli %scan3A_21, %mul3A_22 : i32
      %add3A_24 = arith.constant 0 : i32
      %add3A_25 = arith.addi %add3A_24, %mul3A_23 : i32
      %dma_start3A = arith.constant 0 : i32
      %dma_start3A_26 = tpu.memref_slice %arg8[%add3A_25, %dma_start3A] : memref<250x80xi32, #tpu.memory_space<vmem>> -> memref<1x80xi32, #tpu.memory_space<vmem>>
      %dma_start3A_27 = tpu.memref_squeeze %dma_start3A_26 : memref<1x80xi32, #tpu.memory_space<vmem>> -> memref<80xi32, #tpu.memory_space<vmem>>
      %dma_start3A_28 = arith.constant 0 : i32
      %dma_start3A_29 = arith.constant 0 : i32
      %dma_start3A_30 = tpu.memref_slice %arg2[%dma_start3A_28, %dma_start3A_29] : memref<10000x128xf32, #tpu.memory_space<hbm>> -> memref<10000x128xf32, #tpu.memory_space<hbm>>
      tpu.enqueue_indirect_dma source(%dma_start3A_30 : memref<10000x128xf32, #tpu.memory_space<hbm>>) target(%arg10 : memref<80x128xf32, #tpu.memory_space<vmem>>) offsets(%dma_start3A_27 : memref<80xi32, #tpu.memory_space<vmem>>) semaphore(%arg13 : memref<!tpu.dma_semaphore, #tpu.memory_space<semaphore_mem>>)
      %dma_wait3A = arith.constant 0 : i32
      %dma_wait3A_31 = tpu.memref_slice %arg8[%add3A_25, %dma_wait3A] : memref<250x80xi32, #tpu.memory_space<vmem>> -> memref<1x80xi32, #tpu.memory_space<vmem>>
      %dma_wait3A_32 = tpu.memref_squeeze %dma_wait3A_31 : memref<1x80xi32, #tpu.memory_space<vmem>> -> memref<80xi32, #tpu.memory_space<vmem>>
      %dma_wait3A_33 = arith.constant 0 : i32
      %dma_wait3A_34 = arith.constant 0 : i32
      %dma_wait3A_35 = tpu.memref_slice %arg2[%dma_wait3A_33, %dma_wait3A_34] : memref<10000x128xf32, #tpu.memory_space<hbm>> -> memref<10000x128xf32, #tpu.memory_space<hbm>>
      tpu.wait_indirect_dma semaphore(%arg13 : memref<!tpu.dma_semaphore, #tpu.memory_space<semaphore_mem>>) src(%dma_wait3A_35 : memref<10000x128xf32, #tpu.memory_space<hbm>>) dst(%arg10 : memref<80x128xf32, #tpu.memory_space<vmem>>)
      "tpu.region"() ({
        %run_scoped3A = tpu.sem_alloc : memref<!tpu.dma_semaphore, #tpu.memory_space<semaphore_mem>>
        %dma_start3A_36 = arith.constant 0 : i32
        %dma_start3A_37 = tpu.memref_slice %arg9[%add3A_25, %dma_start3A_36] : memref<250x80xi32, #tpu.memory_space<vmem>> -> memref<1x80xi32, #tpu.memory_space<vmem>>
        %dma_start3A_38 = tpu.memref_squeeze %dma_start3A_37 : memref<1x80xi32, #tpu.memory_space<vmem>> -> memref<80xi32, #tpu.memory_space<vmem>>
        %dma_start3A_39 = arith.constant 0 : i32
        %dma_start3A_40 = arith.constant 0 : i32
        %dma_start3A_41 = tpu.memref_slice %arg12[%dma_start3A_39, %dma_start3A_40] : memref<5008x128xf32, #tpu.memory_space<vmem_shared>> -> memref<5008x128xf32, #tpu.memory_space<vmem_shared>>
        tpu.enqueue_indirect_dma source(%arg10 : memref<80x128xf32, #tpu.memory_space<vmem>>) target(%dma_start3A_41 : memref<5008x128xf32, #tpu.memory_space<vmem_shared>>) offsets(%dma_start3A_38 : memref<80xi32, #tpu.memory_space<vmem>>) semaphore(%run_scoped3A : memref<!tpu.dma_semaphore, #tpu.memory_space<semaphore_mem>>) {add = true}
        %dma_wait3A_42 = arith.constant 0 : i32
        %dma_wait3A_43 = tpu.memref_slice %arg9[%add3A_25, %dma_wait3A_42] : memref<250x80xi32, #tpu.memory_space<vmem>> -> memref<1x80xi32, #tpu.memory_space<vmem>>
        %dma_wait3A_44 = tpu.memref_squeeze %dma_wait3A_43 : memref<1x80xi32, #tpu.memory_space<vmem>> -> memref<80xi32, #tpu.memory_space<vmem>>
        %dma_wait3A_45 = arith.constant 0 : i32
        %dma_wait3A_46 = arith.constant 0 : i32
        %dma_wait3A_47 = tpu.memref_slice %arg12[%dma_wait3A_45, %dma_wait3A_46] : memref<5008x128xf32, #tpu.memory_space<vmem_shared>> -> memref<5008x128xf32, #tpu.memory_space<vmem_shared>>
        tpu.wait_indirect_dma semaphore(%run_scoped3A : memref<!tpu.dma_semaphore, #tpu.memory_space<semaphore_mem>>) src(%arg10 : memref<80x128xf32, #tpu.memory_space<vmem>>) dst(%dma_wait3A_47 : memref<5008x128xf32, #tpu.memory_space<vmem_shared>>)
        tpu.yield
      }) : () -> ()
    }
    %scan3A_12 = arith.constant 250 : i32
    %barrier3A_13 = arith.constant 0 : index
    tpu.barrier barrier_id(%barrier3A_13)
    %add3A_14 = arith.addi %mul3A_0, %mul3A_2 : i32
    "tpu.region"() ({
      %run_scoped3A = tpu.sem_alloc : memref<!tpu.dma_semaphore, #tpu.memory_space<semaphore_mem>>
      %dma_start3A = arith.constant 0 : i32
      %dma_start3A_21 = tpu.memref_slice %arg7[%add3A_14, %dma_start3A] : memref<10000x128xf32, #tpu.memory_space<hbm>> -> memref<312x128xf32, #tpu.memory_space<hbm>>
      %dma_start3A_22 = arith.constant 0 : i32
      %dma_start3A_23 = tpu.memref_slice %arg12[%mul3A_2, %dma_start3A_22] : memref<5008x128xf32, #tpu.memory_space<vmem_shared>> -> memref<312x128xf32, #tpu.memory_space<vmem_shared>>
      tpu.enqueue_dma source(%dma_start3A_23 : memref<312x128xf32, #tpu.memory_space<vmem_shared>>) target(%dma_start3A_21 : memref<312x128xf32, #tpu.memory_space<hbm>>) target_semaphore(%run_scoped3A : memref<!tpu.dma_semaphore, #tpu.memory_space<semaphore_mem>>)
      %dma_wait3A = arith.constant 0 : i32
      %dma_wait3A_24 = tpu.memref_slice %arg7[%add3A_14, %dma_wait3A] : memref<10000x128xf32, #tpu.memory_space<hbm>> -> memref<312x128xf32, #tpu.memory_space<hbm>>
      %dma_wait3A_25 = arith.constant 0 : i32
      %dma_wait3A_26 = tpu.memref_slice %arg12[%mul3A_2, %dma_wait3A_25] : memref<5008x128xf32, #tpu.memory_space<vmem_shared>> -> memref<312x128xf32, #tpu.memory_space<vmem_shared>>
      tpu.wait_dma2 semaphore(%run_scoped3A : memref<!tpu.dma_semaphore, #tpu.memory_space<semaphore_mem>>) src(%dma_wait3A_26 : memref<312x128xf32, #tpu.memory_space<vmem_shared>>) dst(%dma_wait3A_24 : memref<312x128xf32, #tpu.memory_space<hbm>>)
      tpu.yield
    }) : () -> ()
    %eq3A_15 = arith.constant 15 : i32
    %eq3A_16 = arith.cmpi eq, %arg1, %eq3A_15 : i32
    %convert_element_type3A_17 = arith.extui %eq3A_16 : i1 to i32
    %cond3A_18 = arith.constant 0 : i32
    %cond3A_19 = arith.cmpi ne, %convert_element_type3A_17, %cond3A_18 : i32
    scf.if %cond3A_19 {
      %add3A_21 = arith.constant 4992 : i32
      %add3A_22 = arith.addi %mul3A_0, %add3A_21 : i32
      "tpu.region"() ({
        %run_scoped3A = tpu.sem_alloc : memref<!tpu.dma_semaphore, #tpu.memory_space<semaphore_mem>>
        %dma_start3A = arith.constant 0 : i32
        %dma_start3A_23 = tpu.memref_slice %arg7[%add3A_22, %dma_start3A] : memref<10000x128xf32, #tpu.memory_space<hbm>> -> memref<8x128xf32, #tpu.memory_space<hbm>>
        %dma_start3A_24 = arith.constant 4992 : i32
        %dma_start3A_25 = arith.constant 0 : i32
        %dma_start3A_26 = tpu.memref_slice %arg12[%dma_start3A_24, %dma_start3A_25] : memref<5008x128xf32, #tpu.memory_space<vmem_shared>> -> memref<8x128xf32, #tpu.memory_space<vmem_shared>>
        tpu.enqueue_dma source(%dma_start3A_26 : memref<8x128xf32, #tpu.memory_space<vmem_shared>>) target(%dma_start3A_23 : memref<8x128xf32, #tpu.memory_space<hbm>>) target_semaphore(%run_scoped3A : memref<!tpu.dma_semaphore, #tpu.memory_space<semaphore_mem>>)
        %dma_wait3A = arith.constant 0 : i32
        %dma_wait3A_27 = tpu.memref_slice %arg7[%add3A_22, %dma_wait3A] : memref<10000x128xf32, #tpu.memory_space<hbm>> -> memref<8x128xf32, #tpu.memory_space<hbm>>
        %dma_wait3A_28 = arith.constant 4992 : i32
        %dma_wait3A_29 = arith.constant 0 : i32
        %dma_wait3A_30 = tpu.memref_slice %arg12[%dma_wait3A_28, %dma_wait3A_29] : memref<5008x128xf32, #tpu.memory_space<vmem_shared>> -> memref<8x128xf32, #tpu.memory_space<vmem_shared>>
        tpu.wait_dma2 semaphore(%run_scoped3A : memref<!tpu.dma_semaphore, #tpu.memory_space<semaphore_mem>>) src(%dma_wait3A_30 : memref<8x128xf32, #tpu.memory_space<vmem_shared>>) dst(%dma_wait3A_27 : memref<8x128xf32, #tpu.memory_space<hbm>>)
        tpu.yield
      }) : () -> ()
    } else {
    }
    %barrier3A_20 = arith.constant 0 : index
    tpu.barrier barrier_id(%barrier3A_20)
    return
  }
}

#map = affine_map<(d0, d1) -> (0, 0)>
#map1 = affine_map<(d0, d1) -> (0, 0, 0)>
module attributes {stable_mosaic.version = 14 : i64} {
  func.func @k(%arg0: i32, %arg1: i32, %arg2: memref<10000x128xf32, #tpu.memory_space<hbm>>, %arg3: memref<320000x128xf32, #tpu.memory_space<hbm>>, %arg4: memref<16x250x80xi32, #tpu.memory_space<hbm>>, %arg5: memref<16x250x80xi32, #tpu.memory_space<hbm>>, %arg6: memref<10000x128xf32, #tpu.memory_space<hbm>>, %arg7: memref<10000x128xf32, #tpu.memory_space<hbm>>, %arg8: memref<250x80xi32, #tpu.memory_space<vmem>>, %arg9: memref<250x80xi32, #tpu.memory_space<vmem>>, %arg10: memref<80x128xf32, #tpu.memory_space<vmem>>, %arg11: memref<80x128xf32, #tpu.memory_space<vmem>>, %arg12: memref<5008x128xf32, #tpu.memory_space<vmem_shared>>, %arg13: memref<!tpu.dma_semaphore, #tpu.memory_space<semaphore_mem>>, %arg14: memref<!tpu.dma_semaphore, #tpu.memory_space<semaphore_mem>>) attributes {dimension_semantics = [#tpu.dimension_semantics<core_parallel>, #tpu.dimension_semantics<subcore_parallel>], iteration_bounds = array<i64: 2, 16>, scalar_prefetch = 0 : i64, scratch_operands = 7 : i64, tpu.core_type = #tpu.core_type<sc_vector_subcore>, window_params = [{transform_indices = #map}, {transform_indices = #map}, {transform_indices = #map1}, {transform_indices = #map1}, {transform_indices = #map}, {transform_indices = #map}]} {
    %mul3A = arith.constant 5000 : i32
    %mul3A_0 = arith.muli %arg0, %mul3A : i32
    %mul3A_1 = arith.constant 312 : i32
    %mul3A_2 = arith.muli %arg1, %mul3A_1 : i32
    %mul3A_3 = arith.constant 20000 : i32
    %mul3A_4 = arith.muli %arg1, %mul3A_3 : i32
    %add3A = arith.addi %mul3A_0, %mul3A_2 : i32
    "tpu.region"() ({
      %run_scoped3A = tpu.sem_alloc : memref<!tpu.dma_semaphore, #tpu.memory_space<semaphore_mem>>
      %dma_start3A = arith.constant 0 : i32
      %dma_start3A_21 = tpu.memref_slice %arg12[%mul3A_2, %dma_start3A] : memref<5008x128xf32, #tpu.memory_space<vmem_shared>> -> memref<312x128xf32, #tpu.memory_space<vmem_shared>>
      %dma_start3A_22 = arith.constant 0 : i32
      %dma_start3A_23 = tpu.memref_slice %arg6[%add3A, %dma_start3A_22] : memref<10000x128xf32, #tpu.memory_space<hbm>> -> memref<312x128xf32, #tpu.memory_space<hbm>>
      tpu.enqueue_dma source(%dma_start3A_23 : memref<312x128xf32, #tpu.memory_space<hbm>>) target(%dma_start3A_21 : memref<312x128xf32, #tpu.memory_space<vmem_shared>>) target_semaphore(%run_scoped3A : memref<!tpu.dma_semaphore, #tpu.memory_space<semaphore_mem>>)
      %dma_wait3A = arith.constant 0 : i32
      %dma_wait3A_24 = tpu.memref_slice %arg12[%mul3A_2, %dma_wait3A] : memref<5008x128xf32, #tpu.memory_space<vmem_shared>> -> memref<312x128xf32, #tpu.memory_space<vmem_shared>>
      %dma_wait3A_25 = arith.constant 0 : i32
      %dma_wait3A_26 = tpu.memref_slice %arg6[%add3A, %dma_wait3A_25] : memref<10000x128xf32, #tpu.memory_space<hbm>> -> memref<312x128xf32, #tpu.memory_space<hbm>>
      tpu.wait_dma2 semaphore(%run_scoped3A : memref<!tpu.dma_semaphore, #tpu.memory_space<semaphore_mem>>) src(%dma_wait3A_26 : memref<312x128xf32, #tpu.memory_space<hbm>>) dst(%dma_wait3A_24 : memref<312x128xf32, #tpu.memory_space<vmem_shared>>)
      tpu.yield
    }) : () -> ()
    %eq3A = arith.constant 15 : i32
    %eq3A_5 = arith.cmpi eq, %arg1, %eq3A : i32
    %convert_element_type3A = arith.extui %eq3A_5 : i1 to i32
    %cond3A = arith.constant 0 : i32
    %cond3A_6 = arith.cmpi ne, %convert_element_type3A, %cond3A : i32
    scf.if %cond3A_6 {
      %add3A_21 = arith.constant 4992 : i32
      %add3A_22 = arith.addi %mul3A_0, %add3A_21 : i32
      "tpu.region"() ({
        %run_scoped3A = tpu.sem_alloc : memref<!tpu.dma_semaphore, #tpu.memory_space<semaphore_mem>>
        %dma_start3A = arith.constant 4992 : i32
        %dma_start3A_23 = arith.constant 0 : i32
        %dma_start3A_24 = tpu.memref_slice %arg12[%dma_start3A, %dma_start3A_23] : memref<5008x128xf32, #tpu.memory_space<vmem_shared>> -> memref<8x128xf32, #tpu.memory_space<vmem_shared>>
        %dma_start3A_25 = arith.constant 0 : i32
        %dma_start3A_26 = tpu.memref_slice %arg6[%add3A_22, %dma_start3A_25] : memref<10000x128xf32, #tpu.memory_space<hbm>> -> memref<8x128xf32, #tpu.memory_space<hbm>>
        tpu.enqueue_dma source(%dma_start3A_26 : memref<8x128xf32, #tpu.memory_space<hbm>>) target(%dma_start3A_24 : memref<8x128xf32, #tpu.memory_space<vmem_shared>>) target_semaphore(%run_scoped3A : memref<!tpu.dma_semaphore, #tpu.memory_space<semaphore_mem>>)
        %dma_wait3A = arith.constant 4992 : i32
        %dma_wait3A_27 = arith.constant 0 : i32
        %dma_wait3A_28 = tpu.memref_slice %arg12[%dma_wait3A, %dma_wait3A_27] : memref<5008x128xf32, #tpu.memory_space<vmem_shared>> -> memref<8x128xf32, #tpu.memory_space<vmem_shared>>
        %dma_wait3A_29 = arith.constant 0 : i32
        %dma_wait3A_30 = tpu.memref_slice %arg6[%add3A_22, %dma_wait3A_29] : memref<10000x128xf32, #tpu.memory_space<hbm>> -> memref<8x128xf32, #tpu.memory_space<hbm>>
        tpu.wait_dma2 semaphore(%run_scoped3A : memref<!tpu.dma_semaphore, #tpu.memory_space<semaphore_mem>>) src(%dma_wait3A_30 : memref<8x128xf32, #tpu.memory_space<hbm>>) dst(%dma_wait3A_28 : memref<8x128xf32, #tpu.memory_space<vmem_shared>>)
        tpu.yield
      }) : () -> ()
    } else {
    }
    "tpu.region"() ({
      %run_scoped3A = tpu.sem_alloc : memref<!tpu.dma_semaphore, #tpu.memory_space<semaphore_mem>>
      %dma_start3A = arith.constant 0 : i32
      %dma_start3A_21 = arith.constant 0 : i32
      %dma_start3A_22 = tpu.memref_slice %arg4[%arg1, %dma_start3A, %dma_start3A_21] : memref<16x250x80xi32, #tpu.memory_space<hbm>> -> memref<1x250x80xi32, #tpu.memory_space<hbm>>
      %dma_start3A_23 = tpu.memref_squeeze %dma_start3A_22 : memref<1x250x80xi32, #tpu.memory_space<hbm>> -> memref<250x80xi32, #tpu.memory_space<hbm>>
      %dma_start3A_24 = arith.constant 0 : i32
      %dma_start3A_25 = arith.constant 0 : i32
      %dma_start3A_26 = tpu.memref_slice %arg4[%arg1, %dma_start3A_24, %dma_start3A_25] : memref<16x250x80xi32, #tpu.memory_space<hbm>> -> memref<1x250x80xi32, #tpu.memory_space<hbm>>
      %dma_start3A_27 = tpu.memref_squeeze %dma_start3A_26 : memref<1x250x80xi32, #tpu.memory_space<hbm>> -> memref<250x80xi32, #tpu.memory_space<hbm>>
      tpu.enqueue_dma source(%dma_start3A_27 : memref<250x80xi32, #tpu.memory_space<hbm>>) target(%arg8 : memref<250x80xi32, #tpu.memory_space<vmem>>) target_semaphore(%run_scoped3A : memref<!tpu.dma_semaphore, #tpu.memory_space<semaphore_mem>>)
      %dma_wait3A = arith.constant 0 : i32
      %dma_wait3A_28 = arith.constant 0 : i32
      %dma_wait3A_29 = tpu.memref_slice %arg4[%arg1, %dma_wait3A, %dma_wait3A_28] : memref<16x250x80xi32, #tpu.memory_space<hbm>> -> memref<1x250x80xi32, #tpu.memory_space<hbm>>
      %dma_wait3A_30 = tpu.memref_squeeze %dma_wait3A_29 : memref<1x250x80xi32, #tpu.memory_space<hbm>> -> memref<250x80xi32, #tpu.memory_space<hbm>>
      %dma_wait3A_31 = arith.constant 0 : i32
      %dma_wait3A_32 = arith.constant 0 : i32
      %dma_wait3A_33 = tpu.memref_slice %arg4[%arg1, %dma_wait3A_31, %dma_wait3A_32] : memref<16x250x80xi32, #tpu.memory_space<hbm>> -> memref<1x250x80xi32, #tpu.memory_space<hbm>>
      %dma_wait3A_34 = tpu.memref_squeeze %dma_wait3A_33 : memref<1x250x80xi32, #tpu.memory_space<hbm>> -> memref<250x80xi32, #tpu.memory_space<hbm>>
      tpu.wait_dma2 semaphore(%run_scoped3A : memref<!tpu.dma_semaphore, #tpu.memory_space<semaphore_mem>>) src(%dma_wait3A_34 : memref<250x80xi32, #tpu.memory_space<hbm>>) dst(%arg8 : memref<250x80xi32, #tpu.memory_space<vmem>>)
      tpu.yield
    }) : () -> ()
    "tpu.region"() ({
      %run_scoped3A = tpu.sem_alloc : memref<!tpu.dma_semaphore, #tpu.memory_space<semaphore_mem>>
      %dma_start3A = arith.constant 0 : i32
      %dma_start3A_21 = arith.constant 0 : i32
      %dma_start3A_22 = tpu.memref_slice %arg5[%arg1, %dma_start3A, %dma_start3A_21] : memref<16x250x80xi32, #tpu.memory_space<hbm>> -> memref<1x250x80xi32, #tpu.memory_space<hbm>>
      %dma_start3A_23 = tpu.memref_squeeze %dma_start3A_22 : memref<1x250x80xi32, #tpu.memory_space<hbm>> -> memref<250x80xi32, #tpu.memory_space<hbm>>
      %dma_start3A_24 = arith.constant 0 : i32
      %dma_start3A_25 = arith.constant 0 : i32
      %dma_start3A_26 = tpu.memref_slice %arg5[%arg1, %dma_start3A_24, %dma_start3A_25] : memref<16x250x80xi32, #tpu.memory_space<hbm>> -> memref<1x250x80xi32, #tpu.memory_space<hbm>>
      %dma_start3A_27 = tpu.memref_squeeze %dma_start3A_26 : memref<1x250x80xi32, #tpu.memory_space<hbm>> -> memref<250x80xi32, #tpu.memory_space<hbm>>
      tpu.enqueue_dma source(%dma_start3A_27 : memref<250x80xi32, #tpu.memory_space<hbm>>) target(%arg9 : memref<250x80xi32, #tpu.memory_space<vmem>>) target_semaphore(%run_scoped3A : memref<!tpu.dma_semaphore, #tpu.memory_space<semaphore_mem>>)
      %dma_wait3A = arith.constant 0 : i32
      %dma_wait3A_28 = arith.constant 0 : i32
      %dma_wait3A_29 = tpu.memref_slice %arg5[%arg1, %dma_wait3A, %dma_wait3A_28] : memref<16x250x80xi32, #tpu.memory_space<hbm>> -> memref<1x250x80xi32, #tpu.memory_space<hbm>>
      %dma_wait3A_30 = tpu.memref_squeeze %dma_wait3A_29 : memref<1x250x80xi32, #tpu.memory_space<hbm>> -> memref<250x80xi32, #tpu.memory_space<hbm>>
      %dma_wait3A_31 = arith.constant 0 : i32
      %dma_wait3A_32 = arith.constant 0 : i32
      %dma_wait3A_33 = tpu.memref_slice %arg5[%arg1, %dma_wait3A_31, %dma_wait3A_32] : memref<16x250x80xi32, #tpu.memory_space<hbm>> -> memref<1x250x80xi32, #tpu.memory_space<hbm>>
      %dma_wait3A_34 = tpu.memref_squeeze %dma_wait3A_33 : memref<1x250x80xi32, #tpu.memory_space<hbm>> -> memref<250x80xi32, #tpu.memory_space<hbm>>
      tpu.wait_dma2 semaphore(%run_scoped3A : memref<!tpu.dma_semaphore, #tpu.memory_space<semaphore_mem>>) src(%dma_wait3A_34 : memref<250x80xi32, #tpu.memory_space<hbm>>) dst(%arg9 : memref<250x80xi32, #tpu.memory_space<vmem>>)
      tpu.yield
    }) : () -> ()
    %parallel_loop3A = arith.constant 0 : i32
    %parallel_loop3A_7 = arith.constant 250 : i32
    %parallel_loop3A_8 = arith.constant 1 : i32
    scf.for %parallel_loop3A_21 = %parallel_loop3A to %parallel_loop3A_7 step %parallel_loop3A_8  : i32 {
      %parallel_loop3A_22 = arith.index_cast %parallel_loop3A_21 : i32 to index
      %parallel_loop3A_23 = arith.constant 0 : index
      %parallel_loop3A_24 = tpu.vector_load %arg9[%parallel_loop3A_22, %parallel_loop3A_23] {strides = array<i32>} : memref<250x80xi32, #tpu.memory_space<vmem>>, vector<1x16xi32>,
      %parallel_loop3A_25 = vector.shape_cast %parallel_loop3A_24 : vector<1x16xi32> to vector<16xi32>
      %parallel_loop3A_26 = vector.broadcast %mul3A_0 : i32 to vector<16xi32>
      %parallel_loop3A_27 = arith.cmpi sge, %parallel_loop3A_25, %parallel_loop3A_26 : vector<16xi32>
      %parallel_loop3A_28 = arith.constant 5000 : i32
      %parallel_loop3A_29 = arith.addi %mul3A_0, %parallel_loop3A_28 : i32
      %parallel_loop3A_30 = vector.broadcast %parallel_loop3A_29 : i32 to vector<16xi32>
      %parallel_loop3A_31 = arith.cmpi slt, %parallel_loop3A_25, %parallel_loop3A_30 : vector<16xi32>
      %parallel_loop3A_32 = arith.andi %parallel_loop3A_27, %parallel_loop3A_31 : vector<16xi1>
      %parallel_loop3A_33 = vector.broadcast %mul3A_0 : i32 to vector<16xi32>
      %parallel_loop3A_34 = arith.subi %parallel_loop3A_25, %parallel_loop3A_33 : vector<16xi32>
      %parallel_loop3A_35 = arith.constant 5000 : i32
      %parallel_loop3A_36 = vector.broadcast %parallel_loop3A_35 : i32 to vector<16xi32>
      %parallel_loop3A_37 = arith.select %parallel_loop3A_32, %parallel_loop3A_34, %parallel_loop3A_36 : vector<16xi1>, vector<16xi32>
      %parallel_loop3A_38 = arith.index_cast %parallel_loop3A_21 : i32 to index
      %parallel_loop3A_39 = arith.constant 0 : index
      %parallel_loop3A_40 = tpu.vector_load %arg9[%parallel_loop3A_38, %parallel_loop3A_39] {strides = array<i32>} : memref<250x80xi32, #tpu.memory_space<vmem>>, vector<1x16xi32>,
      %parallel_loop3A_41 = vector.shape_cast %parallel_loop3A_40 : vector<1x16xi32> to vector<16xi32>
      %parallel_loop3A_42 = vector.shape_cast %parallel_loop3A_37 : vector<16xi32> to vector<1x16xi32>
      tpu.vector_store %arg9[%parallel_loop3A_38, %parallel_loop3A_39], %parallel_loop3A_42 {strides = array<i32>} : memref<250x80xi32, #tpu.memory_space<vmem>>, vector<1x16xi32>,
      %parallel_loop3A_43 = arith.index_cast %parallel_loop3A_21 : i32 to index
      %parallel_loop3A_44 = arith.constant 16 : index
      %parallel_loop3A_45 = tpu.vector_load %arg9[%parallel_loop3A_43, %parallel_loop3A_44] {strides = array<i32>} : memref<250x80xi32, #tpu.memory_space<vmem>>, vector<1x16xi32>,
      %parallel_loop3A_46 = vector.shape_cast %parallel_loop3A_45 : vector<1x16xi32> to vector<16xi32>
      %parallel_loop3A_47 = vector.broadcast %mul3A_0 : i32 to vector<16xi32>
      %parallel_loop3A_48 = arith.cmpi sge, %parallel_loop3A_46, %parallel_loop3A_47 : vector<16xi32>
      %parallel_loop3A_49 = arith.constant 5000 : i32
      %parallel_loop3A_50 = arith.addi %mul3A_0, %parallel_loop3A_49 : i32
      %parallel_loop3A_51 = vector.broadcast %parallel_loop3A_50 : i32 to vector<16xi32>
      %parallel_loop3A_52 = arith.cmpi slt, %parallel_loop3A_46, %parallel_loop3A_51 : vector<16xi32>
      %parallel_loop3A_53 = arith.andi %parallel_loop3A_48, %parallel_loop3A_52 : vector<16xi1>
      %parallel_loop3A_54 = vector.broadcast %mul3A_0 : i32 to vector<16xi32>
      %parallel_loop3A_55 = arith.subi %parallel_loop3A_46, %parallel_loop3A_54 : vector<16xi32>
      %parallel_loop3A_56 = arith.constant 5000 : i32
      %parallel_loop3A_57 = vector.broadcast %parallel_loop3A_56 : i32 to vector<16xi32>
      %parallel_loop3A_58 = arith.select %parallel_loop3A_53, %parallel_loop3A_55, %parallel_loop3A_57 : vector<16xi1>, vector<16xi32>
      %parallel_loop3A_59 = arith.index_cast %parallel_loop3A_21 : i32 to index
      %parallel_loop3A_60 = arith.constant 16 : index
      %parallel_loop3A_61 = tpu.vector_load %arg9[%parallel_loop3A_59, %parallel_loop3A_60] {strides = array<i32>} : memref<250x80xi32, #tpu.memory_space<vmem>>, vector<1x16xi32>,
      %parallel_loop3A_62 = vector.shape_cast %parallel_loop3A_61 : vector<1x16xi32> to vector<16xi32>
      %parallel_loop3A_63 = vector.shape_cast %parallel_loop3A_58 : vector<16xi32> to vector<1x16xi32>
      tpu.vector_store %arg9[%parallel_loop3A_59, %parallel_loop3A_60], %parallel_loop3A_63 {strides = array<i32>} : memref<250x80xi32, #tpu.memory_space<vmem>>, vector<1x16xi32>,
      %parallel_loop3A_64 = arith.index_cast %parallel_loop3A_21 : i32 to index
      %parallel_loop3A_65 = arith.constant 32 : index
      %parallel_loop3A_66 = tpu.vector_load %arg9[%parallel_loop3A_64, %parallel_loop3A_65] {strides = array<i32>} : memref<250x80xi32, #tpu.memory_space<vmem>>, vector<1x16xi32>,
      %parallel_loop3A_67 = vector.shape_cast %parallel_loop3A_66 : vector<1x16xi32> to vector<16xi32>
      %parallel_loop3A_68 = vector.broadcast %mul3A_0 : i32 to vector<16xi32>
      %parallel_loop3A_69 = arith.cmpi sge, %parallel_loop3A_67, %parallel_loop3A_68 : vector<16xi32>
      %parallel_loop3A_70 = arith.constant 5000 : i32
      %parallel_loop3A_71 = arith.addi %mul3A_0, %parallel_loop3A_70 : i32
      %parallel_loop3A_72 = vector.broadcast %parallel_loop3A_71 : i32 to vector<16xi32>
      %parallel_loop3A_73 = arith.cmpi slt, %parallel_loop3A_67, %parallel_loop3A_72 : vector<16xi32>
      %parallel_loop3A_74 = arith.andi %parallel_loop3A_69, %parallel_loop3A_73 : vector<16xi1>
      %parallel_loop3A_75 = vector.broadcast %mul3A_0 : i32 to vector<16xi32>
      %parallel_loop3A_76 = arith.subi %parallel_loop3A_67, %parallel_loop3A_75 : vector<16xi32>
      %parallel_loop3A_77 = arith.constant 5000 : i32
      %parallel_loop3A_78 = vector.broadcast %parallel_loop3A_77 : i32 to vector<16xi32>
      %parallel_loop3A_79 = arith.select %parallel_loop3A_74, %parallel_loop3A_76, %parallel_loop3A_78 : vector<16xi1>, vector<16xi32>
      %parallel_loop3A_80 = arith.index_cast %parallel_loop3A_21 : i32 to index
      %parallel_loop3A_81 = arith.constant 32 : index
      %parallel_loop3A_82 = tpu.vector_load %arg9[%parallel_loop3A_80, %parallel_loop3A_81] {strides = array<i32>} : memref<250x80xi32, #tpu.memory_space<vmem>>, vector<1x16xi32>,
      %parallel_loop3A_83 = vector.shape_cast %parallel_loop3A_82 : vector<1x16xi32> to vector<16xi32>
      %parallel_loop3A_84 = vector.shape_cast %parallel_loop3A_79 : vector<16xi32> to vector<1x16xi32>
      tpu.vector_store %arg9[%parallel_loop3A_80, %parallel_loop3A_81], %parallel_loop3A_84 {strides = array<i32>} : memref<250x80xi32, #tpu.memory_space<vmem>>, vector<1x16xi32>,
      %parallel_loop3A_85 = arith.index_cast %parallel_loop3A_21 : i32 to index
      %parallel_loop3A_86 = arith.constant 48 : index
      %parallel_loop3A_87 = tpu.vector_load %arg9[%parallel_loop3A_85, %parallel_loop3A_86] {strides = array<i32>} : memref<250x80xi32, #tpu.memory_space<vmem>>, vector<1x16xi32>,
      %parallel_loop3A_88 = vector.shape_cast %parallel_loop3A_87 : vector<1x16xi32> to vector<16xi32>
      %parallel_loop3A_89 = vector.broadcast %mul3A_0 : i32 to vector<16xi32>
      %parallel_loop3A_90 = arith.cmpi sge, %parallel_loop3A_88, %parallel_loop3A_89 : vector<16xi32>
      %parallel_loop3A_91 = arith.constant 5000 : i32
      %parallel_loop3A_92 = arith.addi %mul3A_0, %parallel_loop3A_91 : i32
      %parallel_loop3A_93 = vector.broadcast %parallel_loop3A_92 : i32 to vector<16xi32>
      %parallel_loop3A_94 = arith.cmpi slt, %parallel_loop3A_88, %parallel_loop3A_93 : vector<16xi32>
      %parallel_loop3A_95 = arith.andi %parallel_loop3A_90, %parallel_loop3A_94 : vector<16xi1>
      %parallel_loop3A_96 = vector.broadcast %mul3A_0 : i32 to vector<16xi32>
      %parallel_loop3A_97 = arith.subi %parallel_loop3A_88, %parallel_loop3A_96 : vector<16xi32>
      %parallel_loop3A_98 = arith.constant 5000 : i32
      %parallel_loop3A_99 = vector.broadcast %parallel_loop3A_98 : i32 to vector<16xi32>
      %parallel_loop3A_100 = arith.select %parallel_loop3A_95, %parallel_loop3A_97, %parallel_loop3A_99 : vector<16xi1>, vector<16xi32>
      %parallel_loop3A_101 = arith.index_cast %parallel_loop3A_21 : i32 to index
      %parallel_loop3A_102 = arith.constant 48 : index
      %parallel_loop3A_103 = tpu.vector_load %arg9[%parallel_loop3A_101, %parallel_loop3A_102] {strides = array<i32>} : memref<250x80xi32, #tpu.memory_space<vmem>>, vector<1x16xi32>,
      %parallel_loop3A_104 = vector.shape_cast %parallel_loop3A_103 : vector<1x16xi32> to vector<16xi32>
      %parallel_loop3A_105 = vector.shape_cast %parallel_loop3A_100 : vector<16xi32> to vector<1x16xi32>
      tpu.vector_store %arg9[%parallel_loop3A_101, %parallel_loop3A_102], %parallel_loop3A_105 {strides = array<i32>} : memref<250x80xi32, #tpu.memory_space<vmem>>, vector<1x16xi32>,
      %parallel_loop3A_106 = arith.index_cast %parallel_loop3A_21 : i32 to index
      %parallel_loop3A_107 = arith.constant 64 : index
      %parallel_loop3A_108 = tpu.vector_load %arg9[%parallel_loop3A_106, %parallel_loop3A_107] {strides = array<i32>} : memref<250x80xi32, #tpu.memory_space<vmem>>, vector<1x16xi32>,
      %parallel_loop3A_109 = vector.shape_cast %parallel_loop3A_108 : vector<1x16xi32> to vector<16xi32>
      %parallel_loop3A_110 = vector.broadcast %mul3A_0 : i32 to vector<16xi32>
      %parallel_loop3A_111 = arith.cmpi sge, %parallel_loop3A_109, %parallel_loop3A_110 : vector<16xi32>
      %parallel_loop3A_112 = arith.constant 5000 : i32
      %parallel_loop3A_113 = arith.addi %mul3A_0, %parallel_loop3A_112 : i32
      %parallel_loop3A_114 = vector.broadcast %parallel_loop3A_113 : i32 to vector<16xi32>
      %parallel_loop3A_115 = arith.cmpi slt, %parallel_loop3A_109, %parallel_loop3A_114 : vector<16xi32>
      %parallel_loop3A_116 = arith.andi %parallel_loop3A_111, %parallel_loop3A_115 : vector<16xi1>
      %parallel_loop3A_117 = vector.broadcast %mul3A_0 : i32 to vector<16xi32>
      %parallel_loop3A_118 = arith.subi %parallel_loop3A_109, %parallel_loop3A_117 : vector<16xi32>
      %parallel_loop3A_119 = arith.constant 5000 : i32
      %parallel_loop3A_120 = vector.broadcast %parallel_loop3A_119 : i32 to vector<16xi32>
      %parallel_loop3A_121 = arith.select %parallel_loop3A_116, %parallel_loop3A_118, %parallel_loop3A_120 : vector<16xi1>, vector<16xi32>
      %parallel_loop3A_122 = arith.index_cast %parallel_loop3A_21 : i32 to index
      %parallel_loop3A_123 = arith.constant 64 : index
      %parallel_loop3A_124 = tpu.vector_load %arg9[%parallel_loop3A_122, %parallel_loop3A_123] {strides = array<i32>} : memref<250x80xi32, #tpu.memory_space<vmem>>, vector<1x16xi32>,
      %parallel_loop3A_125 = vector.shape_cast %parallel_loop3A_124 : vector<1x16xi32> to vector<16xi32>
      %parallel_loop3A_126 = vector.shape_cast %parallel_loop3A_121 : vector<16xi32> to vector<1x16xi32>
      tpu.vector_store %arg9[%parallel_loop3A_122, %parallel_loop3A_123], %parallel_loop3A_126 {strides = array<i32>} : memref<250x80xi32, #tpu.memory_space<vmem>>, vector<1x16xi32>,
    } {sc.loop_unroll_factor = 2 : i64, sc.parallel_access}
    %barrier3A = arith.constant 0 : index
    tpu.barrier barrier_id(%barrier3A)
    %scan3A = arith.constant 0 : i32
    %scan3A_9 = arith.constant 250 : i32
    %scan3A_10 = arith.addi %scan3A, %scan3A_9 : i32
    %scan3A_11 = arith.constant 1 : i32
    scf.for %scan3A_21 = %scan3A to %scan3A_10 step %scan3A_11  : i32 {
      %mul3A_22 = arith.constant 1 : i32
      %mul3A_23 = arith.muli %scan3A_21, %mul3A_22 : i32
      %add3A_24 = arith.constant 0 : i32
      %add3A_25 = arith.addi %add3A_24, %mul3A_23 : i32
      %dma_start3A = arith.constant 0 : i32
      %dma_start3A_26 = tpu.memref_slice %arg8[%add3A_25, %dma_start3A] : memref<250x80xi32, #tpu.memory_space<vmem>> -> memref<1x80xi32, #tpu.memory_space<vmem>>
      %dma_start3A_27 = tpu.memref_squeeze %dma_start3A_26 : memref<1x80xi32, #tpu.memory_space<vmem>> -> memref<80xi32, #tpu.memory_space<vmem>>
      %dma_start3A_28 = arith.constant 0 : i32
      %dma_start3A_29 = arith.constant 0 : i32
      %dma_start3A_30 = tpu.memref_slice %arg2[%dma_start3A_28, %dma_start3A_29] : memref<10000x128xf32, #tpu.memory_space<hbm>> -> memref<10000x128xf32, #tpu.memory_space<hbm>>
      tpu.enqueue_indirect_dma source(%dma_start3A_30 : memref<10000x128xf32, #tpu.memory_space<hbm>>) target(%arg10 : memref<80x128xf32, #tpu.memory_space<vmem>>) offsets(%dma_start3A_27 : memref<80xi32, #tpu.memory_space<vmem>>) semaphore(%arg13 : memref<!tpu.dma_semaphore, #tpu.memory_space<semaphore_mem>>)
      %mul3A_31 = arith.constant 80 : i32
      %mul3A_32 = arith.muli %add3A_25, %mul3A_31 : i32
      %add3A_33 = arith.addi %mul3A_4, %mul3A_32 : i32
      %dma_start3A_34 = arith.constant 0 : i32
      %dma_start3A_35 = tpu.memref_slice %arg3[%add3A_33, %dma_start3A_34] : memref<320000x128xf32, #tpu.memory_space<hbm>> -> memref<80x128xf32, #tpu.memory_space<hbm>>
      %dma_start3A_36 = arith.constant 0 : i32
      %dma_start3A_37 = tpu.memref_slice %arg3[%add3A_33, %dma_start3A_36] : memref<320000x128xf32, #tpu.memory_space<hbm>> -> memref<80x128xf32, #tpu.memory_space<hbm>>
      tpu.enqueue_dma source(%dma_start3A_37 : memref<80x128xf32, #tpu.memory_space<hbm>>) target(%arg11 : memref<80x128xf32, #tpu.memory_space<vmem>>) target_semaphore(%arg14 : memref<!tpu.dma_semaphore, #tpu.memory_space<semaphore_mem>>)
      %dma_wait3A = arith.constant 0 : i32
      %dma_wait3A_38 = tpu.memref_slice %arg8[%add3A_25, %dma_wait3A] : memref<250x80xi32, #tpu.memory_space<vmem>> -> memref<1x80xi32, #tpu.memory_space<vmem>>
      %dma_wait3A_39 = tpu.memref_squeeze %dma_wait3A_38 : memref<1x80xi32, #tpu.memory_space<vmem>> -> memref<80xi32, #tpu.memory_space<vmem>>
      %dma_wait3A_40 = arith.constant 0 : i32
      %dma_wait3A_41 = arith.constant 0 : i32
      %dma_wait3A_42 = tpu.memref_slice %arg2[%dma_wait3A_40, %dma_wait3A_41] : memref<10000x128xf32, #tpu.memory_space<hbm>> -> memref<10000x128xf32, #tpu.memory_space<hbm>>
      tpu.wait_indirect_dma semaphore(%arg13 : memref<!tpu.dma_semaphore, #tpu.memory_space<semaphore_mem>>) src(%dma_wait3A_42 : memref<10000x128xf32, #tpu.memory_space<hbm>>) dst(%arg10 : memref<80x128xf32, #tpu.memory_space<vmem>>)
      %dma_wait3A_43 = arith.constant 0 : i32
      %dma_wait3A_44 = tpu.memref_slice %arg3[%add3A_33, %dma_wait3A_43] : memref<320000x128xf32, #tpu.memory_space<hbm>> -> memref<80x128xf32, #tpu.memory_space<hbm>>
      %dma_wait3A_45 = arith.constant 0 : i32
      %dma_wait3A_46 = tpu.memref_slice %arg3[%add3A_33, %dma_wait3A_45] : memref<320000x128xf32, #tpu.memory_space<hbm>> -> memref<80x128xf32, #tpu.memory_space<hbm>>
      tpu.wait_dma2 semaphore(%arg14 : memref<!tpu.dma_semaphore, #tpu.memory_space<semaphore_mem>>) src(%dma_wait3A_46 : memref<80x128xf32, #tpu.memory_space<hbm>>) dst(%arg11 : memref<80x128xf32, #tpu.memory_space<vmem>>)
      %parallel_loop3A_47 = arith.constant 0 : i32
      %parallel_loop3A_48 = arith.constant 80 : i32
      %parallel_loop3A_49 = arith.constant 1 : i32
      scf.for %parallel_loop3A_50 = %parallel_loop3A_47 to %parallel_loop3A_48 step %parallel_loop3A_49  : i32 {
        %parallel_loop3A_51 = arith.index_cast %parallel_loop3A_50 : i32 to index
        %parallel_loop3A_52 = arith.constant 0 : index
        %parallel_loop3A_53 = tpu.vector_load %arg11[%parallel_loop3A_51, %parallel_loop3A_52] {strides = array<i32>} : memref<80x128xf32, #tpu.memory_space<vmem>>, vector<1x16xf32>,
        %parallel_loop3A_54 = vector.shape_cast %parallel_loop3A_53 : vector<1x16xf32> to vector<16xf32>
        %parallel_loop3A_55 = arith.index_cast %parallel_loop3A_50 : i32 to index
        %parallel_loop3A_56 = arith.constant 0 : index
        %parallel_loop3A_57 = tpu.vector_load %arg10[%parallel_loop3A_55, %parallel_loop3A_56] {strides = array<i32>} : memref<80x128xf32, #tpu.memory_space<vmem>>, vector<1x16xf32>,
        %parallel_loop3A_58 = vector.shape_cast %parallel_loop3A_57 : vector<1x16xf32> to vector<16xf32>
        %parallel_loop3A_59 = arith.addf %parallel_loop3A_54, %parallel_loop3A_58 : vector<16xf32>
        %parallel_loop3A_60 = arith.constant 0.000000e+00 : f32
        %parallel_loop3A_61 = vector.broadcast %parallel_loop3A_60 : f32 to vector<16xf32>
        %parallel_loop3A_62 = arith.maximumf %parallel_loop3A_59, %parallel_loop3A_61 : vector<16xf32>
        %parallel_loop3A_63 = arith.index_cast %parallel_loop3A_50 : i32 to index
        %parallel_loop3A_64 = arith.constant 0 : index
        %parallel_loop3A_65 = tpu.vector_load %arg11[%parallel_loop3A_63, %parallel_loop3A_64] {strides = array<i32>} : memref<80x128xf32, #tpu.memory_space<vmem>>, vector<1x16xf32>,
        %parallel_loop3A_66 = vector.shape_cast %parallel_loop3A_65 : vector<1x16xf32> to vector<16xf32>
        %parallel_loop3A_67 = vector.shape_cast %parallel_loop3A_62 : vector<16xf32> to vector<1x16xf32>
        tpu.vector_store %arg11[%parallel_loop3A_63, %parallel_loop3A_64], %parallel_loop3A_67 {strides = array<i32>} : memref<80x128xf32, #tpu.memory_space<vmem>>, vector<1x16xf32>,
        %parallel_loop3A_68 = arith.index_cast %parallel_loop3A_50 : i32 to index
        %parallel_loop3A_69 = arith.constant 16 : index
        %parallel_loop3A_70 = tpu.vector_load %arg11[%parallel_loop3A_68, %parallel_loop3A_69] {strides = array<i32>} : memref<80x128xf32, #tpu.memory_space<vmem>>, vector<1x16xf32>,
        %parallel_loop3A_71 = vector.shape_cast %parallel_loop3A_70 : vector<1x16xf32> to vector<16xf32>
        %parallel_loop3A_72 = arith.index_cast %parallel_loop3A_50 : i32 to index
        %parallel_loop3A_73 = arith.constant 16 : index
        %parallel_loop3A_74 = tpu.vector_load %arg10[%parallel_loop3A_72, %parallel_loop3A_73] {strides = array<i32>} : memref<80x128xf32, #tpu.memory_space<vmem>>, vector<1x16xf32>,
        %parallel_loop3A_75 = vector.shape_cast %parallel_loop3A_74 : vector<1x16xf32> to vector<16xf32>
        %parallel_loop3A_76 = arith.addf %parallel_loop3A_71, %parallel_loop3A_75 : vector<16xf32>
        %parallel_loop3A_77 = arith.constant 0.000000e+00 : f32
        %parallel_loop3A_78 = vector.broadcast %parallel_loop3A_77 : f32 to vector<16xf32>
        %parallel_loop3A_79 = arith.maximumf %parallel_loop3A_76, %parallel_loop3A_78 : vector<16xf32>
        %parallel_loop3A_80 = arith.index_cast %parallel_loop3A_50 : i32 to index
        %parallel_loop3A_81 = arith.constant 16 : index
        %parallel_loop3A_82 = tpu.vector_load %arg11[%parallel_loop3A_80, %parallel_loop3A_81] {strides = array<i32>} : memref<80x128xf32, #tpu.memory_space<vmem>>, vector<1x16xf32>,
        %parallel_loop3A_83 = vector.shape_cast %parallel_loop3A_82 : vector<1x16xf32> to vector<16xf32>
        %parallel_loop3A_84 = vector.shape_cast %parallel_loop3A_79 : vector<16xf32> to vector<1x16xf32>
        tpu.vector_store %arg11[%parallel_loop3A_80, %parallel_loop3A_81], %parallel_loop3A_84 {strides = array<i32>} : memref<80x128xf32, #tpu.memory_space<vmem>>, vector<1x16xf32>,
        %parallel_loop3A_85 = arith.index_cast %parallel_loop3A_50 : i32 to index
        %parallel_loop3A_86 = arith.constant 32 : index
        %parallel_loop3A_87 = tpu.vector_load %arg11[%parallel_loop3A_85, %parallel_loop3A_86] {strides = array<i32>} : memref<80x128xf32, #tpu.memory_space<vmem>>, vector<1x16xf32>,
        %parallel_loop3A_88 = vector.shape_cast %parallel_loop3A_87 : vector<1x16xf32> to vector<16xf32>
        %parallel_loop3A_89 = arith.index_cast %parallel_loop3A_50 : i32 to index
        %parallel_loop3A_90 = arith.constant 32 : index
        %parallel_loop3A_91 = tpu.vector_load %arg10[%parallel_loop3A_89, %parallel_loop3A_90] {strides = array<i32>} : memref<80x128xf32, #tpu.memory_space<vmem>>, vector<1x16xf32>,
        %parallel_loop3A_92 = vector.shape_cast %parallel_loop3A_91 : vector<1x16xf32> to vector<16xf32>
        %parallel_loop3A_93 = arith.addf %parallel_loop3A_88, %parallel_loop3A_92 : vector<16xf32>
        %parallel_loop3A_94 = arith.constant 0.000000e+00 : f32
        %parallel_loop3A_95 = vector.broadcast %parallel_loop3A_94 : f32 to vector<16xf32>
        %parallel_loop3A_96 = arith.maximumf %parallel_loop3A_93, %parallel_loop3A_95 : vector<16xf32>
        %parallel_loop3A_97 = arith.index_cast %parallel_loop3A_50 : i32 to index
        %parallel_loop3A_98 = arith.constant 32 : index
        %parallel_loop3A_99 = tpu.vector_load %arg11[%parallel_loop3A_97, %parallel_loop3A_98] {strides = array<i32>} : memref<80x128xf32, #tpu.memory_space<vmem>>, vector<1x16xf32>,
        %parallel_loop3A_100 = vector.shape_cast %parallel_loop3A_99 : vector<1x16xf32> to vector<16xf32>
        %parallel_loop3A_101 = vector.shape_cast %parallel_loop3A_96 : vector<16xf32> to vector<1x16xf32>
        tpu.vector_store %arg11[%parallel_loop3A_97, %parallel_loop3A_98], %parallel_loop3A_101 {strides = array<i32>} : memref<80x128xf32, #tpu.memory_space<vmem>>, vector<1x16xf32>,
        %parallel_loop3A_102 = arith.index_cast %parallel_loop3A_50 : i32 to index
        %parallel_loop3A_103 = arith.constant 48 : index
        %parallel_loop3A_104 = tpu.vector_load %arg11[%parallel_loop3A_102, %parallel_loop3A_103] {strides = array<i32>} : memref<80x128xf32, #tpu.memory_space<vmem>>, vector<1x16xf32>,
        %parallel_loop3A_105 = vector.shape_cast %parallel_loop3A_104 : vector<1x16xf32> to vector<16xf32>
        %parallel_loop3A_106 = arith.index_cast %parallel_loop3A_50 : i32 to index
        %parallel_loop3A_107 = arith.constant 48 : index
        %parallel_loop3A_108 = tpu.vector_load %arg10[%parallel_loop3A_106, %parallel_loop3A_107] {strides = array<i32>} : memref<80x128xf32, #tpu.memory_space<vmem>>, vector<1x16xf32>,
        %parallel_loop3A_109 = vector.shape_cast %parallel_loop3A_108 : vector<1x16xf32> to vector<16xf32>
        %parallel_loop3A_110 = arith.addf %parallel_loop3A_105, %parallel_loop3A_109 : vector<16xf32>
        %parallel_loop3A_111 = arith.constant 0.000000e+00 : f32
        %parallel_loop3A_112 = vector.broadcast %parallel_loop3A_111 : f32 to vector<16xf32>
        %parallel_loop3A_113 = arith.maximumf %parallel_loop3A_110, %parallel_loop3A_112 : vector<16xf32>
        %parallel_loop3A_114 = arith.index_cast %parallel_loop3A_50 : i32 to index
        %parallel_loop3A_115 = arith.constant 48 : index
        %parallel_loop3A_116 = tpu.vector_load %arg11[%parallel_loop3A_114, %parallel_loop3A_115] {strides = array<i32>} : memref<80x128xf32, #tpu.memory_space<vmem>>, vector<1x16xf32>,
        %parallel_loop3A_117 = vector.shape_cast %parallel_loop3A_116 : vector<1x16xf32> to vector<16xf32>
        %parallel_loop3A_118 = vector.shape_cast %parallel_loop3A_113 : vector<16xf32> to vector<1x16xf32>
        tpu.vector_store %arg11[%parallel_loop3A_114, %parallel_loop3A_115], %parallel_loop3A_118 {strides = array<i32>} : memref<80x128xf32, #tpu.memory_space<vmem>>, vector<1x16xf32>,
        %parallel_loop3A_119 = arith.index_cast %parallel_loop3A_50 : i32 to index
        %parallel_loop3A_120 = arith.constant 64 : index
        %parallel_loop3A_121 = tpu.vector_load %arg11[%parallel_loop3A_119, %parallel_loop3A_120] {strides = array<i32>} : memref<80x128xf32, #tpu.memory_space<vmem>>, vector<1x16xf32>,
        %parallel_loop3A_122 = vector.shape_cast %parallel_loop3A_121 : vector<1x16xf32> to vector<16xf32>
        %parallel_loop3A_123 = arith.index_cast %parallel_loop3A_50 : i32 to index
        %parallel_loop3A_124 = arith.constant 64 : index
        %parallel_loop3A_125 = tpu.vector_load %arg10[%parallel_loop3A_123, %parallel_loop3A_124] {strides = array<i32>} : memref<80x128xf32, #tpu.memory_space<vmem>>, vector<1x16xf32>,
        %parallel_loop3A_126 = vector.shape_cast %parallel_loop3A_125 : vector<1x16xf32> to vector<16xf32>
        %parallel_loop3A_127 = arith.addf %parallel_loop3A_122, %parallel_loop3A_126 : vector<16xf32>
        %parallel_loop3A_128 = arith.constant 0.000000e+00 : f32
        %parallel_loop3A_129 = vector.broadcast %parallel_loop3A_128 : f32 to vector<16xf32>
        %parallel_loop3A_130 = arith.maximumf %parallel_loop3A_127, %parallel_loop3A_129 : vector<16xf32>
        %parallel_loop3A_131 = arith.index_cast %parallel_loop3A_50 : i32 to index
        %parallel_loop3A_132 = arith.constant 64 : index
        %parallel_loop3A_133 = tpu.vector_load %arg11[%parallel_loop3A_131, %parallel_loop3A_132] {strides = array<i32>} : memref<80x128xf32, #tpu.memory_space<vmem>>, vector<1x16xf32>,
        %parallel_loop3A_134 = vector.shape_cast %parallel_loop3A_133 : vector<1x16xf32> to vector<16xf32>
        %parallel_loop3A_135 = vector.shape_cast %parallel_loop3A_130 : vector<16xf32> to vector<1x16xf32>
        tpu.vector_store %arg11[%parallel_loop3A_131, %parallel_loop3A_132], %parallel_loop3A_135 {strides = array<i32>} : memref<80x128xf32, #tpu.memory_space<vmem>>, vector<1x16xf32>,
        %parallel_loop3A_136 = arith.index_cast %parallel_loop3A_50 : i32 to index
        %parallel_loop3A_137 = arith.constant 80 : index
        %parallel_loop3A_138 = tpu.vector_load %arg11[%parallel_loop3A_136, %parallel_loop3A_137] {strides = array<i32>} : memref<80x128xf32, #tpu.memory_space<vmem>>, vector<1x16xf32>,
        %parallel_loop3A_139 = vector.shape_cast %parallel_loop3A_138 : vector<1x16xf32> to vector<16xf32>
        %parallel_loop3A_140 = arith.index_cast %parallel_loop3A_50 : i32 to index
        %parallel_loop3A_141 = arith.constant 80 : index
        %parallel_loop3A_142 = tpu.vector_load %arg10[%parallel_loop3A_140, %parallel_loop3A_141] {strides = array<i32>} : memref<80x128xf32, #tpu.memory_space<vmem>>, vector<1x16xf32>,
        %parallel_loop3A_143 = vector.shape_cast %parallel_loop3A_142 : vector<1x16xf32> to vector<16xf32>
        %parallel_loop3A_144 = arith.addf %parallel_loop3A_139, %parallel_loop3A_143 : vector<16xf32>
        %parallel_loop3A_145 = arith.constant 0.000000e+00 : f32
        %parallel_loop3A_146 = vector.broadcast %parallel_loop3A_145 : f32 to vector<16xf32>
        %parallel_loop3A_147 = arith.maximumf %parallel_loop3A_144, %parallel_loop3A_146 : vector<16xf32>
        %parallel_loop3A_148 = arith.index_cast %parallel_loop3A_50 : i32 to index
        %parallel_loop3A_149 = arith.constant 80 : index
        %parallel_loop3A_150 = tpu.vector_load %arg11[%parallel_loop3A_148, %parallel_loop3A_149] {strides = array<i32>} : memref<80x128xf32, #tpu.memory_space<vmem>>, vector<1x16xf32>,
        %parallel_loop3A_151 = vector.shape_cast %parallel_loop3A_150 : vector<1x16xf32> to vector<16xf32>
        %parallel_loop3A_152 = vector.shape_cast %parallel_loop3A_147 : vector<16xf32> to vector<1x16xf32>
        tpu.vector_store %arg11[%parallel_loop3A_148, %parallel_loop3A_149], %parallel_loop3A_152 {strides = array<i32>} : memref<80x128xf32, #tpu.memory_space<vmem>>, vector<1x16xf32>,
        %parallel_loop3A_153 = arith.index_cast %parallel_loop3A_50 : i32 to index
        %parallel_loop3A_154 = arith.constant 96 : index
        %parallel_loop3A_155 = tpu.vector_load %arg11[%parallel_loop3A_153, %parallel_loop3A_154] {strides = array<i32>} : memref<80x128xf32, #tpu.memory_space<vmem>>, vector<1x16xf32>,
        %parallel_loop3A_156 = vector.shape_cast %parallel_loop3A_155 : vector<1x16xf32> to vector<16xf32>
        %parallel_loop3A_157 = arith.index_cast %parallel_loop3A_50 : i32 to index
        %parallel_loop3A_158 = arith.constant 96 : index
        %parallel_loop3A_159 = tpu.vector_load %arg10[%parallel_loop3A_157, %parallel_loop3A_158] {strides = array<i32>} : memref<80x128xf32, #tpu.memory_space<vmem>>, vector<1x16xf32>,
        %parallel_loop3A_160 = vector.shape_cast %parallel_loop3A_159 : vector<1x16xf32> to vector<16xf32>
        %parallel_loop3A_161 = arith.addf %parallel_loop3A_156, %parallel_loop3A_160 : vector<16xf32>
        %parallel_loop3A_162 = arith.constant 0.000000e+00 : f32
        %parallel_loop3A_163 = vector.broadcast %parallel_loop3A_162 : f32 to vector<16xf32>
        %parallel_loop3A_164 = arith.maximumf %parallel_loop3A_161, %parallel_loop3A_163 : vector<16xf32>
        %parallel_loop3A_165 = arith.index_cast %parallel_loop3A_50 : i32 to index
        %parallel_loop3A_166 = arith.constant 96 : index
        %parallel_loop3A_167 = tpu.vector_load %arg11[%parallel_loop3A_165, %parallel_loop3A_166] {strides = array<i32>} : memref<80x128xf32, #tpu.memory_space<vmem>>, vector<1x16xf32>,
        %parallel_loop3A_168 = vector.shape_cast %parallel_loop3A_167 : vector<1x16xf32> to vector<16xf32>
        %parallel_loop3A_169 = vector.shape_cast %parallel_loop3A_164 : vector<16xf32> to vector<1x16xf32>
        tpu.vector_store %arg11[%parallel_loop3A_165, %parallel_loop3A_166], %parallel_loop3A_169 {strides = array<i32>} : memref<80x128xf32, #tpu.memory_space<vmem>>, vector<1x16xf32>,
        %parallel_loop3A_170 = arith.index_cast %parallel_loop3A_50 : i32 to index
        %parallel_loop3A_171 = arith.constant 112 : index
        %parallel_loop3A_172 = tpu.vector_load %arg11[%parallel_loop3A_170, %parallel_loop3A_171] {strides = array<i32>} : memref<80x128xf32, #tpu.memory_space<vmem>>, vector<1x16xf32>,
        %parallel_loop3A_173 = vector.shape_cast %parallel_loop3A_172 : vector<1x16xf32> to vector<16xf32>
        %parallel_loop3A_174 = arith.index_cast %parallel_loop3A_50 : i32 to index
        %parallel_loop3A_175 = arith.constant 112 : index
        %parallel_loop3A_176 = tpu.vector_load %arg10[%parallel_loop3A_174, %parallel_loop3A_175] {strides = array<i32>} : memref<80x128xf32, #tpu.memory_space<vmem>>, vector<1x16xf32>,
        %parallel_loop3A_177 = vector.shape_cast %parallel_loop3A_176 : vector<1x16xf32> to vector<16xf32>
        %parallel_loop3A_178 = arith.addf %parallel_loop3A_173, %parallel_loop3A_177 : vector<16xf32>
        %parallel_loop3A_179 = arith.constant 0.000000e+00 : f32
        %parallel_loop3A_180 = vector.broadcast %parallel_loop3A_179 : f32 to vector<16xf32>
        %parallel_loop3A_181 = arith.maximumf %parallel_loop3A_178, %parallel_loop3A_180 : vector<16xf32>
        %parallel_loop3A_182 = arith.index_cast %parallel_loop3A_50 : i32 to index
        %parallel_loop3A_183 = arith.constant 112 : index
        %parallel_loop3A_184 = tpu.vector_load %arg11[%parallel_loop3A_182, %parallel_loop3A_183] {strides = array<i32>} : memref<80x128xf32, #tpu.memory_space<vmem>>, vector<1x16xf32>,
        %parallel_loop3A_185 = vector.shape_cast %parallel_loop3A_184 : vector<1x16xf32> to vector<16xf32>
        %parallel_loop3A_186 = vector.shape_cast %parallel_loop3A_181 : vector<16xf32> to vector<1x16xf32>
        tpu.vector_store %arg11[%parallel_loop3A_182, %parallel_loop3A_183], %parallel_loop3A_186 {strides = array<i32>} : memref<80x128xf32, #tpu.memory_space<vmem>>, vector<1x16xf32>,
      } {sc.loop_unroll_factor = 4 : i64, sc.parallel_access}
      "tpu.region"() ({
        %run_scoped3A = tpu.sem_alloc : memref<!tpu.dma_semaphore, #tpu.memory_space<semaphore_mem>>
        %dma_start3A_50 = arith.constant 0 : i32
        %dma_start3A_51 = tpu.memref_slice %arg9[%add3A_25, %dma_start3A_50] : memref<250x80xi32, #tpu.memory_space<vmem>> -> memref<1x80xi32, #tpu.memory_space<vmem>>
        %dma_start3A_52 = tpu.memref_squeeze %dma_start3A_51 : memref<1x80xi32, #tpu.memory_space<vmem>> -> memref<80xi32, #tpu.memory_space<vmem>>
        %dma_start3A_53 = arith.constant 0 : i32
        %dma_start3A_54 = arith.constant 0 : i32
        %dma_start3A_55 = tpu.memref_slice %arg12[%dma_start3A_53, %dma_start3A_54] : memref<5008x128xf32, #tpu.memory_space<vmem_shared>> -> memref<5008x128xf32, #tpu.memory_space<vmem_shared>>
        tpu.enqueue_indirect_dma source(%arg11 : memref<80x128xf32, #tpu.memory_space<vmem>>) target(%dma_start3A_55 : memref<5008x128xf32, #tpu.memory_space<vmem_shared>>) offsets(%dma_start3A_52 : memref<80xi32, #tpu.memory_space<vmem>>) semaphore(%run_scoped3A : memref<!tpu.dma_semaphore, #tpu.memory_space<semaphore_mem>>) {add = true}
        %dma_wait3A_56 = arith.constant 0 : i32
        %dma_wait3A_57 = tpu.memref_slice %arg9[%add3A_25, %dma_wait3A_56] : memref<250x80xi32, #tpu.memory_space<vmem>> -> memref<1x80xi32, #tpu.memory_space<vmem>>
        %dma_wait3A_58 = tpu.memref_squeeze %dma_wait3A_57 : memref<1x80xi32, #tpu.memory_space<vmem>> -> memref<80xi32, #tpu.memory_space<vmem>>
        %dma_wait3A_59 = arith.constant 0 : i32
        %dma_wait3A_60 = arith.constant 0 : i32
        %dma_wait3A_61 = tpu.memref_slice %arg12[%dma_wait3A_59, %dma_wait3A_60] : memref<5008x128xf32, #tpu.memory_space<vmem_shared>> -> memref<5008x128xf32, #tpu.memory_space<vmem_shared>>
        tpu.wait_indirect_dma semaphore(%run_scoped3A : memref<!tpu.dma_semaphore, #tpu.memory_space<semaphore_mem>>) src(%arg11 : memref<80x128xf32, #tpu.memory_space<vmem>>) dst(%dma_wait3A_61 : memref<5008x128xf32, #tpu.memory_space<vmem_shared>>)
        tpu.yield
      }) : () -> ()
    }
    %scan3A_12 = arith.constant 250 : i32
    %barrier3A_13 = arith.constant 0 : index
    tpu.barrier barrier_id(%barrier3A_13)
    %add3A_14 = arith.addi %mul3A_0, %mul3A_2 : i32
    "tpu.region"() ({
      %run_scoped3A = tpu.sem_alloc : memref<!tpu.dma_semaphore, #tpu.memory_space<semaphore_mem>>
      %dma_start3A = arith.constant 0 : i32
      %dma_start3A_21 = tpu.memref_slice %arg7[%add3A_14, %dma_start3A] : memref<10000x128xf32, #tpu.memory_space<hbm>> -> memref<312x128xf32, #tpu.memory_space<hbm>>
      %dma_start3A_22 = arith.constant 0 : i32
      %dma_start3A_23 = tpu.memref_slice %arg12[%mul3A_2, %dma_start3A_22] : memref<5008x128xf32, #tpu.memory_space<vmem_shared>> -> memref<312x128xf32, #tpu.memory_space<vmem_shared>>
      tpu.enqueue_dma source(%dma_start3A_23 : memref<312x128xf32, #tpu.memory_space<vmem_shared>>) target(%dma_start3A_21 : memref<312x128xf32, #tpu.memory_space<hbm>>) target_semaphore(%run_scoped3A : memref<!tpu.dma_semaphore, #tpu.memory_space<semaphore_mem>>)
      %dma_wait3A = arith.constant 0 : i32
      %dma_wait3A_24 = tpu.memref_slice %arg7[%add3A_14, %dma_wait3A] : memref<10000x128xf32, #tpu.memory_space<hbm>> -> memref<312x128xf32, #tpu.memory_space<hbm>>
      %dma_wait3A_25 = arith.constant 0 : i32
      %dma_wait3A_26 = tpu.memref_slice %arg12[%mul3A_2, %dma_wait3A_25] : memref<5008x128xf32, #tpu.memory_space<vmem_shared>> -> memref<312x128xf32, #tpu.memory_space<vmem_shared>>
      tpu.wait_dma2 semaphore(%run_scoped3A : memref<!tpu.dma_semaphore, #tpu.memory_space<semaphore_mem>>) src(%dma_wait3A_26 : memref<312x128xf32, #tpu.memory_space<vmem_shared>>) dst(%dma_wait3A_24 : memref<312x128xf32, #tpu.memory_space<hbm>>)
      tpu.yield
    }) : () -> ()
    %eq3A_15 = arith.constant 15 : i32
    %eq3A_16 = arith.cmpi eq, %arg1, %eq3A_15 : i32
    %convert_element_type3A_17 = arith.extui %eq3A_16 : i1 to i32
    %cond3A_18 = arith.constant 0 : i32
    %cond3A_19 = arith.cmpi ne, %convert_element_type3A_17, %cond3A_18 : i32
    scf.if %cond3A_19 {
      %add3A_21 = arith.constant 4992 : i32
      %add3A_22 = arith.addi %mul3A_0, %add3A_21 : i32
      "tpu.region"() ({
        %run_scoped3A = tpu.sem_alloc : memref<!tpu.dma_semaphore, #tpu.memory_space<semaphore_mem>>
        %dma_start3A = arith.constant 0 : i32
        %dma_start3A_23 = tpu.memref_slice %arg7[%add3A_22, %dma_start3A] : memref<10000x128xf32, #tpu.memory_space<hbm>> -> memref<8x128xf32, #tpu.memory_space<hbm>>
        %dma_start3A_24 = arith.constant 4992 : i32
        %dma_start3A_25 = arith.constant 0 : i32
        %dma_start3A_26 = tpu.memref_slice %arg12[%dma_start3A_24, %dma_start3A_25] : memref<5008x128xf32, #tpu.memory_space<vmem_shared>> -> memref<8x128xf32, #tpu.memory_space<vmem_shared>>
        tpu.enqueue_dma source(%dma_start3A_26 : memref<8x128xf32, #tpu.memory_space<vmem_shared>>) target(%dma_start3A_23 : memref<8x128xf32, #tpu.memory_space<hbm>>) target_semaphore(%run_scoped3A : memref<!tpu.dma_semaphore, #tpu.memory_space<semaphore_mem>>)
        %dma_wait3A = arith.constant 0 : i32
        %dma_wait3A_27 = tpu.memref_slice %arg7[%add3A_22, %dma_wait3A] : memref<10000x128xf32, #tpu.memory_space<hbm>> -> memref<8x128xf32, #tpu.memory_space<hbm>>
        %dma_wait3A_28 = arith.constant 4992 : i32
        %dma_wait3A_29 = arith.constant 0 : i32
        %dma_wait3A_30 = tpu.memref_slice %arg12[%dma_wait3A_28, %dma_wait3A_29] : memref<5008x128xf32, #tpu.memory_space<vmem_shared>> -> memref<8x128xf32, #tpu.memory_space<vmem_shared>>
        tpu.wait_dma2 semaphore(%run_scoped3A : memref<!tpu.dma_semaphore, #tpu.memory_space<semaphore_mem>>) src(%dma_wait3A_30 : memref<8x128xf32, #tpu.memory_space<vmem_shared>>) dst(%dma_wait3A_27 : memref<8x128xf32, #tpu.memory_space<hbm>>)
        tpu.yield
      }) : () -> ()
    } else {
    }
    %barrier3A_20 = arith.constant 0 : index
    tpu.barrier barrier_id(%barrier3A_20)
    return
  }
}

module attributes {stable_mosaic.version = 14 : i64} {
  func.func @_mm_body(%arg0: memref<10000x128xf32, #tpu.memory_space<vmem>>, %arg1: memref<128x128xf32, #tpu.memory_space<vmem>>, %arg2: memref<10000x128xf32, #tpu.memory_space<vmem>>) attributes {dimension_semantics = [], scalar_prefetch = 0 : i64, scratch_operands = 0 : i64, tpu.core_type = #tpu.core_type<tc>} {
    %get3A = arith.constant 0 : index
    %get3A_0 = arith.constant 0 : index
    %get3A_1 = vector.load %arg0[%get3A, %get3A_0] : memref<10000x128xf32, #tpu.memory_space<vmem>>, vector<10000x128xf32>
    %get3A_2 = arith.constant 0 : index
    %get3A_3 = arith.constant 0 : index
    %get3A_4 = vector.load %arg1[%get3A_2, %get3A_3] : memref<128x128xf32, #tpu.memory_space<vmem>>, vector<128x128xf32>
    %dot_general3A = arith.constant dense<0.000000e+00> : vector<10000x128xf32>
    %dot_general3A_5 = tpu.matmul %get3A_1, %get3A_4, %dot_general3A {dimension_numbers = #tpu.dot_dimension_numbers<[1], [0], [0], [1], [0, 0, 1, 1], [], []>, transpose_lhs_hint = false} : vector<10000x128xf32>, vector<128x128xf32>, vector<10000x128xf32> -> vector<10000x128xf32>
    %swap3A = arith.constant 0 : index
    %swap3A_6 = arith.constant 0 : index
    %swap3A_7 = vector.load %arg2[%swap3A, %swap3A_6] : memref<10000x128xf32, #tpu.memory_space<vmem>>, vector<10000x128xf32>
    tpu.vector_store %arg2[%swap3A, %swap3A_6], %dot_general3A_5 {strides = array<i32>} : memref<10000x128xf32, #tpu.memory_space<vmem>>, vector<10000x128xf32>,
    return
  }
}

module attributes {stable_mosaic.version = 14 : i64} {
  func.func @_mm_bias_body(%arg0: i32, %arg1: memref<2000x128xf32, #tpu.memory_space<vmem>>, %arg2: memref<128x128xf32, #tpu.memory_space<vmem>>, %arg3: memref<1x128xf32, #tpu.memory_space<vmem>>, %arg4: memref<2000x128xf32, #tpu.memory_space<vmem>>) attributes {dimension_semantics = [#tpu.dimension_semantics<arbitrary>], iteration_bounds = array<i64: 160>, scalar_prefetch = 0 : i64, scratch_operands = 0 : i64, tpu.core_type = #tpu.core_type<tc>, window_params = [{transform_indices = @transform_0, window_bounds = array<i64: 2000, 128>}, {pipeline_mode = #tpu.pipeline_mode<synchronous>, transform_indices = @transform_1, window_bounds = array<i64: 128, 128>}, {pipeline_mode = #tpu.pipeline_mode<synchronous>, transform_indices = @transform_2, window_bounds = array<i64: 1, 128>}, {transform_indices = @transform_3, window_bounds = array<i64: 2000, 128>}]} {
    %get3A = arith.constant 0 : index
    %get3A_0 = arith.constant 0 : index
    %get3A_1 = vector.load %arg1[%get3A, %get3A_0] : memref<2000x128xf32, #tpu.memory_space<vmem>>, vector<2000x128xf32>
    %get3A_2 = arith.constant 0 : index
    %get3A_3 = arith.constant 0 : index
    %get3A_4 = vector.load %arg2[%get3A_2, %get3A_3] : memref<128x128xf32, #tpu.memory_space<vmem>>, vector<128x128xf32>
    %dot_general3A = arith.constant dense<0.000000e+00> : vector<2000x128xf32>
    %dot_general3A_5 = tpu.matmul %get3A_1, %get3A_4, %dot_general3A {dimension_numbers = #tpu.dot_dimension_numbers<[1], [0], [0], [1], [0, 0, 1, 1], [], []>, transpose_lhs_hint = false} : vector<2000x128xf32>, vector<128x128xf32>, vector<2000x128xf32> -> vector<2000x128xf32>
    %get3A_6 = arith.constant 0 : index
    %get3A_7 = arith.constant 0 : index
    %get3A_8 = vector.load %arg3[%get3A_6, %get3A_7] : memref<1x128xf32, #tpu.memory_space<vmem>>, vector<1x128xf32>
    %add3A = vector.broadcast %get3A_8 : vector<1x128xf32> to vector<2000x128xf32>
    %add3A_9 = arith.addf %dot_general3A_5, %add3A : vector<2000x128xf32>
    %swap3A = arith.constant 0 : index
    %swap3A_10 = arith.constant 0 : index
    %swap3A_11 = vector.load %arg4[%swap3A, %swap3A_10] : memref<2000x128xf32, #tpu.memory_space<vmem>>, vector<2000x128xf32>
    tpu.vector_store %arg4[%swap3A, %swap3A_10], %add3A_9 {strides = array<i32>} : memref<2000x128xf32, #tpu.memory_space<vmem>>, vector<2000x128xf32>,
    return
  }
  func.func @transform_0(%arg0: i32) -> (i32, i32) {
    %c0_i32 = arith.constant 0 : i32
    %c0_i32_0 = arith.constant 0 : i32
    return %arg0, %c0_i32 : i32, i32
  }
  func.func @transform_1(%arg0: i32) -> (i32, i32) {
    %c0_i32 = arith.constant 0 : i32
    %c0_i32_0 = arith.constant 0 : i32
    %c0_i32_1 = arith.constant 0 : i32
    return %c0_i32, %c0_i32_0 : i32, i32
  }
  func.func @transform_2(%arg0: i32) -> (i32, i32) {
    %c0_i32 = arith.constant 0 : i32
    %c0_i32_0 = arith.constant 0 : i32
    %c0_i32_1 = arith.constant 0 : i32
    return %c0_i32, %c0_i32_0 : i32, i32
  }
  func.func @transform_3(%arg0: i32) -> (i32, i32) {
    %c0_i32 = arith.constant 0 : i32
    %c0_i32_0 = arith.constant 0 : i32
    return %arg0, %c0_i32 : i32, i32
  }
}

module attributes {stable_mosaic.version = 14 : i64} {
  func.func @_mlp_body(%arg0: i32, %arg1: memref<1000x128xf32, #tpu.memory_space<vmem>>, %arg2: memref<1000x128xf32, #tpu.memory_space<vmem>>, %arg3: memref<128x128xf32, #tpu.memory_space<vmem>>, %arg4: memref<1x128xf32, #tpu.memory_space<vmem>>, %arg5: memref<128x128xf32, #tpu.memory_space<vmem>>, %arg6: memref<1x128xf32, #tpu.memory_space<vmem>>, %arg7: memref<128x128xf32, #tpu.memory_space<vmem>>, %arg8: memref<1x128xf32, #tpu.memory_space<vmem>>, %arg9: memref<128x128xf32, #tpu.memory_space<vmem>>, %arg10: memref<1x128xf32, #tpu.memory_space<vmem>>, %arg11: memref<128x128xf32, #tpu.memory_space<vmem>>, %arg12: memref<128x128xf32, #tpu.memory_space<vmem>>, %arg13: memref<1x128xf32, #tpu.memory_space<vmem>>, %arg14: memref<1000x128xf32, #tpu.memory_space<vmem>>) attributes {dimension_semantics = [#tpu.dimension_semantics<arbitrary>], iteration_bounds = array<i64: 10>, scalar_prefetch = 0 : i64, scratch_operands = 0 : i64, tpu.core_type = #tpu.core_type<tc>, window_params = [{transform_indices = @transform_0, window_bounds = array<i64: 1000, 128>}, {transform_indices = @transform_1, window_bounds = array<i64: 1000, 128>}, {pipeline_mode = #tpu.pipeline_mode<synchronous>, transform_indices = @transform_2, window_bounds = array<i64: 128, 128>}, {pipeline_mode = #tpu.pipeline_mode<synchronous>, transform_indices = @transform_3, window_bounds = array<i64: 1, 128>}, {pipeline_mode = #tpu.pipeline_mode<synchronous>, transform_indices = @transform_4, window_bounds = array<i64: 128, 128>}, {pipeline_mode = #tpu.pipeline_mode<synchronous>, transform_indices = @transform_5, window_bounds = array<i64: 1, 128>}, {pipeline_mode = #tpu.pipeline_mode<synchronous>, transform_indices = @transform_6, window_bounds = array<i64: 128, 128>}, {pipeline_mode = #tpu.pipeline_mode<synchronous>, transform_indices = @transform_7, window_bounds = array<i64: 1, 128>}, {pipeline_mode = #tpu.pipeline_mode<synchronous>, transform_indices = @transform_8, window_bounds = array<i64: 128, 128>}, {pipeline_mode = #tpu.pipeline_mode<synchronous>, transform_indices = @transform_9, window_bounds = array<i64: 1, 128>}, {pipeline_mode = #tpu.pipeline_mode<synchronous>, transform_indices = @transform_10, window_bounds = array<i64: 128, 128>}, {pipeline_mode = #tpu.pipeline_mode<synchronous>, transform_indices = @transform_11, window_bounds = array<i64: 128, 128>}, {pipeline_mode = #tpu.pipeline_mode<synchronous>, transform_indices = @transform_12, window_bounds = array<i64: 1, 128>}, {transform_indices = @transform_13, window_bounds = array<i64: 1000, 128>}]} {
    %get3A = arith.constant 0 : index
    %get3A_0 = arith.constant 0 : index
    %get3A_1 = vector.load %arg1[%get3A, %get3A_0] : memref<1000x128xf32, #tpu.memory_space<vmem>>, vector<1000x128xf32>
    %get3A_2 = arith.constant 0 : index
    %get3A_3 = arith.constant 0 : index
    %get3A_4 = vector.load %arg3[%get3A_2, %get3A_3] : memref<128x128xf32, #tpu.memory_space<vmem>>, vector<128x128xf32>
    %dot_general3A = arith.constant dense<0.000000e+00> : vector<1000x128xf32>
    %dot_general3A_5 = tpu.matmul %get3A_1, %get3A_4, %dot_general3A {dimension_numbers = #tpu.dot_dimension_numbers<[1], [0], [0], [1], [0, 0, 1, 1], [], []>, transpose_lhs_hint = false} : vector<1000x128xf32>, vector<128x128xf32>, vector<1000x128xf32> -> vector<1000x128xf32>
    %get3A_6 = arith.constant 0 : index
    %get3A_7 = arith.constant 0 : index
    %get3A_8 = vector.load %arg4[%get3A_6, %get3A_7] : memref<1x128xf32, #tpu.memory_space<vmem>>, vector<1x128xf32>
    %add3A = vector.broadcast %get3A_8 : vector<1x128xf32> to vector<1000x128xf32>
    %add3A_9 = arith.addf %dot_general3A_5, %add3A : vector<1000x128xf32>
    %max3A = arith.constant 0.000000e+00 : f32
    %max3A_10 = vector.broadcast %max3A : f32 to vector<1000x128xf32>
    %max3A_11 = arith.maximumf %add3A_9, %max3A_10 : vector<1000x128xf32>
    %get3A_12 = arith.constant 0 : index
    %get3A_13 = arith.constant 0 : index
    %get3A_14 = vector.load %arg5[%get3A_12, %get3A_13] : memref<128x128xf32, #tpu.memory_space<vmem>>, vector<128x128xf32>
    %dot_general3A_15 = arith.constant dense<0.000000e+00> : vector<1000x128xf32>
    %dot_general3A_16 = tpu.matmul %max3A_11, %get3A_14, %dot_general3A_15 {dimension_numbers = #tpu.dot_dimension_numbers<[1], [0], [0], [1], [0, 0, 1, 1], [], []>, transpose_lhs_hint = false} : vector<1000x128xf32>, vector<128x128xf32>, vector<1000x128xf32> -> vector<1000x128xf32>
    %get3A_17 = arith.constant 0 : index
    %get3A_18 = arith.constant 0 : index
    %get3A_19 = vector.load %arg6[%get3A_17, %get3A_18] : memref<1x128xf32, #tpu.memory_space<vmem>>, vector<1x128xf32>
    %add3A_20 = vector.broadcast %get3A_19 : vector<1x128xf32> to vector<1000x128xf32>
    %add3A_21 = arith.addf %dot_general3A_16, %add3A_20 : vector<1000x128xf32>
    %max3A_22 = arith.constant 0.000000e+00 : f32
    %max3A_23 = vector.broadcast %max3A_22 : f32 to vector<1000x128xf32>
    %max3A_24 = arith.maximumf %add3A_21, %max3A_23 : vector<1000x128xf32>
    %get3A_25 = arith.constant 0 : index
    %get3A_26 = arith.constant 0 : index
    %get3A_27 = vector.load %arg2[%get3A_25, %get3A_26] : memref<1000x128xf32, #tpu.memory_space<vmem>>, vector<1000x128xf32>
    %get3A_28 = arith.constant 0 : index
    %get3A_29 = arith.constant 0 : index
    %get3A_30 = vector.load %arg7[%get3A_28, %get3A_29] : memref<128x128xf32, #tpu.memory_space<vmem>>, vector<128x128xf32>
    %dot_general3A_31 = arith.constant dense<0.000000e+00> : vector<1000x128xf32>
    %dot_general3A_32 = tpu.matmul %get3A_27, %get3A_30, %dot_general3A_31 {dimension_numbers = #tpu.dot_dimension_numbers<[1], [0], [0], [1], [0, 0, 1, 1], [], []>, transpose_lhs_hint = false} : vector<1000x128xf32>, vector<128x128xf32>, vector<1000x128xf32> -> vector<1000x128xf32>
    %get3A_33 = arith.constant 0 : index
    %get3A_34 = arith.constant 0 : index
    %get3A_35 = vector.load %arg8[%get3A_33, %get3A_34] : memref<1x128xf32, #tpu.memory_space<vmem>>, vector<1x128xf32>
    %add3A_36 = vector.broadcast %get3A_35 : vector<1x128xf32> to vector<1000x128xf32>
    %add3A_37 = arith.addf %dot_general3A_32, %add3A_36 : vector<1000x128xf32>
    %max3A_38 = arith.constant 0.000000e+00 : f32
    %max3A_39 = vector.broadcast %max3A_38 : f32 to vector<1000x128xf32>
    %max3A_40 = arith.maximumf %add3A_37, %max3A_39 : vector<1000x128xf32>
    %get3A_41 = arith.constant 0 : index
    %get3A_42 = arith.constant 0 : index
    %get3A_43 = vector.load %arg9[%get3A_41, %get3A_42] : memref<128x128xf32, #tpu.memory_space<vmem>>, vector<128x128xf32>
    %dot_general3A_44 = arith.constant dense<0.000000e+00> : vector<1000x128xf32>
    %dot_general3A_45 = tpu.matmul %max3A_40, %get3A_43, %dot_general3A_44 {dimension_numbers = #tpu.dot_dimension_numbers<[1], [0], [0], [1], [0, 0, 1, 1], [], []>, transpose_lhs_hint = false} : vector<1000x128xf32>, vector<128x128xf32>, vector<1000x128xf32> -> vector<1000x128xf32>
    %get3A_46 = arith.constant 0 : index
    %get3A_47 = arith.constant 0 : index
    %get3A_48 = vector.load %arg10[%get3A_46, %get3A_47] : memref<1x128xf32, #tpu.memory_space<vmem>>, vector<1x128xf32>
    %add3A_49 = vector.broadcast %get3A_48 : vector<1x128xf32> to vector<1000x128xf32>
    %add3A_50 = arith.addf %dot_general3A_45, %add3A_49 : vector<1000x128xf32>
    %max3A_51 = arith.constant 0.000000e+00 : f32
    %max3A_52 = vector.broadcast %max3A_51 : f32 to vector<1000x128xf32>
    %max3A_53 = arith.maximumf %add3A_50, %max3A_52 : vector<1000x128xf32>
    %get3A_54 = arith.constant 0 : index
    %get3A_55 = arith.constant 0 : index
    %get3A_56 = vector.load %arg11[%get3A_54, %get3A_55] : memref<128x128xf32, #tpu.memory_space<vmem>>, vector<128x128xf32>
    %dot_general3A_57 = arith.constant dense<0.000000e+00> : vector<1000x128xf32>
    %dot_general3A_58 = tpu.matmul %max3A_24, %get3A_56, %dot_general3A_57 {dimension_numbers = #tpu.dot_dimension_numbers<[1], [0], [0], [1], [0, 0, 1, 1], [], []>, transpose_lhs_hint = false} : vector<1000x128xf32>, vector<128x128xf32>, vector<1000x128xf32> -> vector<1000x128xf32>
    %get3A_59 = arith.constant 0 : index
    %get3A_60 = arith.constant 0 : index
    %get3A_61 = vector.load %arg12[%get3A_59, %get3A_60] : memref<128x128xf32, #tpu.memory_space<vmem>>, vector<128x128xf32>
    %dot_general3A_62 = arith.constant dense<0.000000e+00> : vector<1000x128xf32>
    %dot_general3A_63 = tpu.matmul %max3A_53, %get3A_61, %dot_general3A_62 {dimension_numbers = #tpu.dot_dimension_numbers<[1], [0], [0], [1], [0, 0, 1, 1], [], []>, transpose_lhs_hint = false} : vector<1000x128xf32>, vector<128x128xf32>, vector<1000x128xf32> -> vector<1000x128xf32>
    %add3A_64 = arith.addf %dot_general3A_58, %dot_general3A_63 : vector<1000x128xf32>
    %get3A_65 = arith.constant 0 : index
    %get3A_66 = arith.constant 0 : index
    %get3A_67 = vector.load %arg13[%get3A_65, %get3A_66] : memref<1x128xf32, #tpu.memory_space<vmem>>, vector<1x128xf32>
    %add3A_68 = vector.broadcast %get3A_67 : vector<1x128xf32> to vector<1000x128xf32>
    %add3A_69 = arith.addf %add3A_64, %add3A_68 : vector<1000x128xf32>
    %max3A_70 = arith.constant 0.000000e+00 : f32
    %max3A_71 = vector.broadcast %max3A_70 : f32 to vector<1000x128xf32>
    %max3A_72 = arith.maximumf %add3A_69, %max3A_71 : vector<1000x128xf32>
    %swap3A = arith.constant 0 : index
    %swap3A_73 = arith.constant 0 : index
    %swap3A_74 = vector.load %arg14[%swap3A, %swap3A_73] : memref<1000x128xf32, #tpu.memory_space<vmem>>, vector<1000x128xf32>
    tpu.vector_store %arg14[%swap3A, %swap3A_73], %max3A_72 {strides = array<i32>} : memref<1000x128xf32, #tpu.memory_space<vmem>>, vector<1000x128xf32>,
    return
  }
  func.func @transform_0(%arg0: i32) -> (i32, i32) {
    %c0_i32 = arith.constant 0 : i32
    %c0_i32_0 = arith.constant 0 : i32
    return %arg0, %c0_i32 : i32, i32
  }
  func.func @transform_1(%arg0: i32) -> (i32, i32) {
    %c0_i32 = arith.constant 0 : i32
    %c0_i32_0 = arith.constant 0 : i32
    return %arg0, %c0_i32 : i32, i32
  }
  func.func @transform_2(%arg0: i32) -> (i32, i32) {
    %c0_i32 = arith.constant 0 : i32
    %c0_i32_0 = arith.constant 0 : i32
    %c0_i32_1 = arith.constant 0 : i32
    return %c0_i32, %c0_i32_0 : i32, i32
  }
  func.func @transform_3(%arg0: i32) -> (i32, i32) {
    %c0_i32 = arith.constant 0 : i32
    %c0_i32_0 = arith.constant 0 : i32
    %c0_i32_1 = arith.constant 0 : i32
    return %c0_i32, %c0_i32_0 : i32, i32
  }
  func.func @transform_4(%arg0: i32) -> (i32, i32) {
    %c0_i32 = arith.constant 0 : i32
    %c0_i32_0 = arith.constant 0 : i32
    %c0_i32_1 = arith.constant 0 : i32
    return %c0_i32, %c0_i32_0 : i32, i32
  }
  func.func @transform_5(%arg0: i32) -> (i32, i32) {
    %c0_i32 = arith.constant 0 : i32
    %c0_i32_0 = arith.constant 0 : i32
    %c0_i32_1 = arith.constant 0 : i32
    return %c0_i32, %c0_i32_0 : i32, i32
  }
  func.func @transform_6(%arg0: i32) -> (i32, i32) {
    %c0_i32 = arith.constant 0 : i32
    %c0_i32_0 = arith.constant 0 : i32
    %c0_i32_1 = arith.constant 0 : i32
    return %c0_i32, %c0_i32_0 : i32, i32
  }
  func.func @transform_7(%arg0: i32) -> (i32, i32) {
    %c0_i32 = arith.constant 0 : i32
    %c0_i32_0 = arith.constant 0 : i32
    %c0_i32_1 = arith.constant 0 : i32
    return %c0_i32, %c0_i32_0 : i32, i32
  }
  func.func @transform_8(%arg0: i32) -> (i32, i32) {
    %c0_i32 = arith.constant 0 : i32
    %c0_i32_0 = arith.constant 0 : i32
    %c0_i32_1 = arith.constant 0 : i32
    return %c0_i32, %c0_i32_0 : i32, i32
  }
  func.func @transform_9(%arg0: i32) -> (i32, i32) {
    %c0_i32 = arith.constant 0 : i32
    %c0_i32_0 = arith.constant 0 : i32
    %c0_i32_1 = arith.constant 0 : i32
    return %c0_i32, %c0_i32_0 : i32, i32
  }
  func.func @transform_10(%arg0: i32) -> (i32, i32) {
    %c0_i32 = arith.constant 0 : i32
    %c0_i32_0 = arith.constant 0 : i32
    %c0_i32_1 = arith.constant 0 : i32
    return %c0_i32, %c0_i32_0 : i32, i32
  }
  func.func @transform_11(%arg0: i32) -> (i32, i32) {
    %c0_i32 = arith.constant 0 : i32
    %c0_i32_0 = arith.constant 0 : i32
    %c0_i32_1 = arith.constant 0 : i32
    return %c0_i32, %c0_i32_0 : i32, i32
  }
  func.func @transform_12(%arg0: i32) -> (i32, i32) {
    %c0_i32 = arith.constant 0 : i32
    %c0_i32_0 = arith.constant 0 : i32
    %c0_i32_1 = arith.constant 0 : i32
    return %c0_i32, %c0_i32_0 : i32, i32
  }
  func.func @transform_13(%arg0: i32) -> (i32, i32) {
    %c0_i32 = arith.constant 0 : i32
    %c0_i32_0 = arith.constant 0 : i32
    return %arg0, %c0_i32 : i32, i32
  }
}

</mosaic_0001>

<sc_bundles>
// kernel: kernel.10.cloned.1.call-start
scs
__scs_entry_jumppad:
0x0: {  	(pc) =	sbr.rel $0x88, $3  }
0x1: {  	(tag) =	ssettag $0x0;
	lr =	simm.s32 $0x1  }
0x2: {  	[smem:$0x3F90] =	sst lr;
	_ =	strace $0xD0000000  }
0x3: {  	_ = 	snop  }
0x4: {  	_ = 	snop  }
0x5: {  	_ = 	snop  }
0x6: {  	_ = 	snop  }
0x7: {  	_ = 	snop  }
__scs_overlays_trampoline_lowered:
0x8: {  	[smem:$0x3F9F] =	sst s0  }
0x9: {  	[smem:$0x3FA0] =	sst s1  }
0xa: {  	[smem:$0x3FA1] =	sst s2  }
0xb: {  	[smem:$0x3FA2] =	sst s3  }
0xc: {  	[smem:$0x3FA3] =	sst s4  }
0xd: {  	[smem:$0x3FA4] =	sst s5  }
0xe: {  	[smem:$0x3FA5] =	sst s6  }
0xf: {  	[smem:$0x3FA6] =	sst s7  }
0x10: {  	[smem:$0x3FA7] =	sst s8  }
0x11: {  	[smem:$0x3FA8] =	sst s9;
	s0 =	simm.s32 @!p0 $0x0  }
0x12: {  	s1 =	sld [smem:$0x3F8E];
	s0 =	simm.s32 @p0 $0x1  }
0x13: {  	[smem:$0x3FA9] =	sst s0;
	s0 =	simm.s32 @!p1 $0x0  }
0x14: {  	s2 =	sld [smem:$0x3F8D];
	s0 =	simm.s32 @p1 $0x1  }
0x15: {  	[smem:$0x3FAA] =	sst s0;
	s0 =	simm.s32 @!p2 $0x0  }
0x16: {  	s3 =	sld [smem:$0x3FDB];
	s0 =	simm.s32 @p2 $0x1  }
0x17: {  	s4 =	simm.s32 $0x1BF5;
	[smem:$0x3FAC] =	sst s0  }
0x18: {  	s0 =	sld [smem:$0x3F8F];
	_ =	swait.ge [sflag:s4], $0x0  }
0x19: {  	s7 =	sld [smem:$0x3F90]  }
0x1a: {  	s8 =	sadd.s32 $0xFFFFE003, lr  }
0x1b: {  	s9 =	sadd.s32 $0xFFFFFEF7, lr;
	s5 =	simm.s32 $0xFFFFFFFF;
	p2 =	slt.u32 s8, $0xFFFFF086  }
0x1c: {  	p1 =	slt.u32 s9, $0xF7A;
	s5 =	simm.s32 @!p2 $0x0  }
0x1d: {  	s5 =	simm.s32 @p1 $0x1;
	p0 =	seq.s32 s7, s2  }
0x1e: {  	s7 =	smul.u32 @!p0 $0xF7A, s2;
	p2 =	seq.s32 @!p0 s5, $0x0  }
0x1f: {  	s9 =	smul.u32 $0xF7A, s1;
	s8 =	simm.s32 @!p0 $0x1BF5;
	p2 =	por !p2, p0  }
0x20: {  	[sflag:s8] =	ssyncset.s32 @!p0 $0xFFFFF086;
	s6 =	sadd.s32 @!p0 s3, s7;
	s7 =	simm.s32 @!p0 $0x108  }
0x21: {  	s3 =	sadd.s32 s3, s9;
	s6 =	sadd.s32 @!p0 $0x88, s6;
	s7 =	simm.s32 @p2 $0x1082  }
0x22: {  	[simem:s7], [sflag:s8] =	dma.local @!p0 [hbm:s6], $0xF7A  }
0x23: {  	s9 =	sor.u32 $0xD0000000, s2;
	s6 =	simm.s32 $0x108;
	_ =	swait.ge @!p0 [sflag:s8], $0x0  }
0x24: {  	s3 =	sadd.s32 $0x88, s3;
	s6 =	simm.s32 @!p1 $0x1082;
	[sflag:s4] =	ssyncset.s32 $0xFFFFF086  }
0x25: {  	[simem:s6], [sflag:s4] =	dma.local [hbm:s3], $0xF7A  }
0x26: {  	[smem:$0x3F90] =	sst s1;
	(tag) =	ssettag s2;
	_ =	strace s9  }
0x27: {  	s1 =	sld [smem:$0x3FA0]  }
0x28: {  	s2 =	sld [smem:$0x3FA1]  }
0x29: {  	s4 =	sld [smem:$0x3FA3]  }
0x2a: {  	p0 =	seq.s32 s5, $0x0;
	s5 =	sld [smem:$0x3FA4]  }
0x2b: {  	s6 =	sld [smem:$0x3FA5]  }
0x2c: {  	s7 =	sld [smem:$0x3FA6]  }
0x2d: {  	s3 =	simm.s32 $0x108;
	s8 =	sld [smem:$0x3FA7]  }
0x2e: {  	s3 =	simm.s32 @!p0 $0x1082;
	s9 =	sld [smem:$0x3FA8]  }
0x2f: {  	lr =	sadd.s32 s0, s3;
	s0 =	sld [smem:$0x3F9F]  }
0x30: {  	s3 =	sld [smem:$0x3FA2]  }
0x31: {  	[smem:$0x3FAB] =	sst s10  }
0x32: {  	s10 =	sld [smem:$0x3FA9];
	_ =	sdelay $0x3  }
0x33: {  	p0 =	seq.s32 s10, $0x1;
	s10 =	sld [smem:$0x3FAB];
	_ =	sdelay $0x3  }
0x34: {  	[smem:$0x3FAB] =	sst s10  }
0x35: {  	s10 =	sld [smem:$0x3FAA];
	_ =	sdelay $0x3  }
0x36: {  	p1 =	seq.s32 s10, $0x1;
	s10 =	sld [smem:$0x3FAB];
	_ =	sdelay $0x3  }
0x37: {  	[smem:$0x3FAB] =	sst s10  }
0x38: {  	s10 =	sld [smem:$0x3FAC]  }
0x39: {  	_ = 	snop;
	(pc) =	sbr.ind lr, $3  }
0x3a: {  	_ = 	snop  }
0x3b: {  	_ = 	snop  }
0x3c: {  	p2 =	seq.s32 s10, $0x1;
	s10 =	sld [smem:$0x3FAB]  }
0x3d: {  	_ =	shalt  }
0x3e: {  	_ =	shalt  }
0x3f: {  	_ =	shalt  }
0x40: {  	_ =	shalt  }
0x41: {  	_ =	shalt  }
0x42: {  	_ =	shalt  }
0x43: {  	_ =	shalt  }
0x44: {  	_ =	shalt  }
0x45: {  	_ =	shalt  }
0x46: {  	_ =	shalt  }
0x47: {  	_ =	shalt  }
0x48: {  	_ =	shalt  }
0x49: {  	_ =	shalt  }
0x4a: {  	_ =	shalt  }
0x4b: {  	_ =	shalt  }
0x4c: {  	_ =	shalt  }
0x4d: {  	_ =	shalt  }
0x4e: {  	_ =	shalt  }
0x4f: {  	_ =	shalt  }
0x50: {  	_ =	shalt  }
0x51: {  	_ =	shalt  }
0x52: {  	_ =	shalt  }
0x53: {  	_ =	shalt  }
0x54: {  	_ =	shalt  }
0x55: {  	_ =	shalt  }
0x56: {  	_ =	shalt  }
0x57: {  	_ =	shalt  }
0x58: {  	_ =	shalt  }
0x59: {  	_ =	shalt  }
0x5a: {  	_ =	shalt  }
0x5b: {  	_ =	shalt  }
0x5c: {  	_ =	shalt  }
0x5d: {  	_ =	shalt  }
0x5e: {  	_ =	shalt  }
0x5f: {  	_ =	shalt  }
0x60: {  	_ =	shalt  }
0x61: {  	_ =	shalt  }
0x62: {  	_ =	shalt  }
0x63: {  	_ =	shalt  }
0x64: {  	_ =	shalt  }
0x65: {  	_ =	shalt  }
0x66: {  	_ =	shalt  }
0x67: {  	_ =	shalt  }
0x68: {  	_ =	shalt  }
0x69: {  	_ =	shalt  }
0x6a: {  	_ =	shalt  }
0x6b: {  	_ =	shalt  }
0x6c: {  	_ =	shalt  }
0x6d: {  	_ =	shalt  }
0x6e: {  	_ =	shalt  }
0x6f: {  	_ =	shalt  }
0x70: {  	_ =	shalt  }
0x71: {  	_ =	shalt  }
0x72: {  	_ =	shalt  }
0x73: {  	_ =	shalt  }
0x74: {  	_ =	shalt  }
0x75: {  	_ =	shalt  }
0x76: {  	_ =	shalt  }
0x77: {  	_ =	shalt  }
0x78: {  	_ =	shalt  }
0x79: {  	_ =	shalt  }
0x7a: {  	_ =	shalt  }
0x7b: {  	_ =	shalt  }
0x7c: {  	_ =	shalt  }
0x7d: {  	_ =	shalt  }
0x7e: {  	_ =	shalt  }
0x7f: {  	_ =	shalt  }
0x80: {  	_ =	shalt  }
0x81: {  	_ =	shalt  }
0x82: {  	_ =	shalt  }
0x83: {  	_ =	shalt  }
0x84: {  	_ =	shalt  }
0x85: {  	_ =	shalt  }
0x86: {  	_ =	shalt  }
0x87: {  	_ =	shalt  }
.Lfunc_end0:
.L_simem_size_0:
called_computation.1_lowered:
.L_overlay_start_0:
0x88: {  	s2 =	sld [smem:$0x3FD9]  }
0x89: {  	s3 =	sld [smem:$0x3FFE];
	_ =	sdelay $0x1  }
0x8a: {  	s1 =	srdreg.scid  }
0x8b: {  	s0 =	sand.u32 $0x1, s1  }
0x8c: {  	s17 =	sshll.u32 s0, $0xA;
	s2 =	sadd.s32 s3, s2  }
0x8d: {  	s2 =	sadd.s32 s2, s17  }
0x8e: {  	[smem:$0x3FB7] =	sst s2  }
0x8f: {  	_ = 	snop  }
0x90: {  	s2 =	sld [smem:$0x3FC9]  }
0x91: {  	s18 =	sld [smem:$0x3FD0];
	(tm) =	ssettm $0x1  }
0x92: {  	s4 =	sld [smem:$0x3FFB];
	_ =	sdelay $0x3  }
0x93: {  	_ =	strace s4  }
0x94: {  	s4 =	sld [smem:$0x3FFC];
	_ =	sdelay $0x3  }
0x95: {  	_ =	strace s4  }
0x96: {  	s4 =	sld [smem:$0x3FFD];
	_ =	sdelay $0x3  }
0x97: {  	_ =	strace s4  }
0x98: {  	_ =	strace $0x8FFFFFFF  }
0x99: {  	s19 =	sld [smem:$0x3FDB];
	_ =	sdelay $0x1  }
0x9a: {  	s5 =	simm.s32 $_scs_section_size  }
0x9b: {  	s6 =	simm.s32 $_size__tile_overlayer_lowered;
	s7 =	simm.s32 $_tile_overlayer_lowered  }
0x9c: {  	s22 =	simm.s32 $0x1BFF;
	s21 =	sshll.u32 s7, $0x1;
	s4 =	sadd.s32 s5, s19  }
0x9d: {  	s8 =	simm.s32 $0x0;
	s20 =	sshll.u32 s6, $0x1;
	s6 =	sadd.s32 s21, s4  }
0x9e: {  	[timem:s8], [sflag:s22] =	dma.local [hbm:s6], s20  }
0x9f: {  	_ =	swait.ge [sflag:s22], s20  }
0xa0: {  	s5 =	ssub.s32 $0x0, s20;
	[sflag:s22] =	ssyncset.done $0x0  }
0xa1: {  	[sflag:s22] =	ssyncadd.s32 s5;
	_ =	sdelay $0x1  }
0xa2: {  	s23 =	simm.s32 $0x1B8B  }
0xa3: {  	_ =	swait.ge [sflag:s23], $0x1  }
0xa4: {  	[sflag:s23] =	ssyncset.done $0x0  }
0xa5: {  	s25 =	simm.s32 $0x1B8E;
	s24 =	sld [smem:$0x3FFE];
	[sflag:s23] =	ssyncadd.s32 $0xFFFFFFFF  }
0xa6: {  	s26 =	simm.s32 $execute0_lowered;
	[smem:$0x3FD2] =	sst s25  }
0xa7: {  	s6 =	sshll.u32 s26, $0x1;
	_ =	strace $0x80000046;
	[dreg:$0x1] =	wrdreg $0xFFFFFFFF  }
0xa8: {  	s28 =	simm.s32 $_size_execute0_lowered;
	s4 =	sadd.s32 s4, s6;
	[dreg:$0x0] =	wrdreg $0x0  }
0xa9: {  	s6 =	sshll.u32 s28, $0x1;
	[dreg:$0x2] =	wrdreg s4  }
0xaa: {  	[dreg:$0x3] =	wrdreg s6  }
0xab: {  	[dreg:$0x4] =	wrdreg $0xC0  }
0xac: {  	_ =	task [dreg:s8], $0x5FFFF  }
0xad: {  	[dreg:$0x1] =	wrdreg $0xFFFFFFFF  }
0xae: {  	[dreg:$0x0] =	wrdreg $0x60  }
0xaf: {  	[dreg:$0x2] =	wrdreg s18  }
0xb0: {  	[dreg:$0x3] =	wrdreg s24  }
0xb1: {  	[dreg:$0x4] =	wrdreg s2  }
0xb2: {  	[dreg:$0x5] =	wrdreg $0x150000  }
0xb3: {  	[dreg:$0x6] =	wrdreg $0xA  }
0xb4: {  	_ =	task.clear_ibuf [dreg:s8], $0x7FFFF;
	_ =	strace $0x90000046  }
0xb5: {  	s29 =	simm.s32 $0xA;
	_ =	strace $0x80000048  }
0xb6: {  	_ =	swait.ge [sflag:s29], $0x1  }
0xb7: {  	[sflag:s29] =	ssyncadd.s32 $0xFFFFFFFF  }
0xb8: {  	_ =	strace $0x90000048  }
0xb9: {  	_ =	sfence  }
0xba: {  	s30 =	sld [smem:$0x0];
	_ =	sdelay $0x2  }
0xbb: {  	s31 =	sshll.u32 s1, $0xD;
	s1 =	sshrl.u32 s1, $0x2  }
0xbc: {  	s3 =	sand.u32 $0x4000, s31;
	s1 =	sadd.s32 s1, s30  }
0xbd: {  	s0 =	sor.u32 s3, s0;
	s1 =	sshll.u32 s1, $0x11  }
0xbe: {  	s0 =	sor.u32 s1, s0  }
0xbf: {  	s0 =	sadd.s32 $0x8F2B, s0  }
0xc0: {  	[sflag:s0] =	ssyncadd.remote.s32 $0x1  }
0xc1: {  	_ =	sfence.sel $0xFFFF  }
0xc2: {  	[dreg:$0x0] =	wrdreg $0xFFFFFFFF;
	(pc) =	sbr.abs _section_cstart, $3  }
0xc3: {  	[dreg:$0x1] =	wrdreg $0xFFFFFFFF  }
0xc4: {  	_ =	task.clear_ibuf [dreg:s8], $0x2FFFF;
	_ =	strace $0x9FFFFFFF  }
0xc5: {  	(tm) =	ssettm $0x7FFFFFFF  }
tec
execute0_lowered:
.L_overlay_start_1:
0x0: {  	(tag) =	ssettag $0x1  }
0x1: {  	s1 =	rddreg [dreg:$0x0]  }
0x2: {  	s0 =	rddreg [dreg:$0x1]  }
0x3: {  	s9 =	rddreg [dreg:$0x2]  }
0x4: {  	s2 =	rddreg [dreg:$0x3];
	s3 =	simm.s32 $0x0  }
0x5: {  	s4 =	srdreg.scid;
	s18 =	simm.s32 $0x8000;
	s19 =	simm.s32 $0x50  }
0x6: {  	s20 =	simm.s32 $0x10000;
	s21 =	simm.s32 $0x12800;
	s6 =	sand.u32 $0x1, s4  }
0x7: {  	s24 =	simm.s32 $0x0;
	s4 =	stileid.u32;
	s22 =	smul.u32 $0x1388, s6  }
0x8: {  	[smem:$0x7FF] =	sst s3;
	s5 =	sadd.s32 $0x21A00, s0;
	s8 =	smul.u32 $0x27000, s4  }
0x9: {  	s17 =	sadd.s32 $0x9C000, s2;
	_ =	strace $0x80000047;
	s12 =	smul.u32 $0x138, s4  }
0xa: {  	s7 =	ssub.s32 $0x2, s6;
	s10 =	sshll.u32 s4, $0xC;
	s30 =	smul.u32 $0x9C400, s6  }
0xb: {  	s6 =	smul.u32 $0x4E20, s4;
	s31 =	sshll.u32 s4, $0x6;
	p0 =	sne.s32 s4, $0xF  }
0xc: {  	s11 =	sshrl.u32 s7, $0x1;
	s13 =	sadd.s32 s10, s0;
	s0 =	sadd.s32 $0x503A00, s0  }
0xd: {  	s17 =	sshrl.u32 @!p0 s17, $0x3;
	s14 =	ssub.s32 s7, s11;
	s28 =	sshrl.u32 s8, $0x2  }
0xe: {  	s29 =	sadd.s32 s12, s22;
	s10 =	sshrl.u32 s30, $0x3;
	s8 =	sor.u32 $0x1C03, s31  }
0xf: {  	s11 =	sadd.s32 $0x11A00, s13;
	s23 =	sadd.s32 $0x1388, s22;
	v0 =	vmov s22;
	s22 =	simm.s32 $0x1  }
0x10: {  	s15 =	sadd.s32 s28, s2;
	s12 =	sshll.u32 s29, $0x4;
	s16 =	sadd.s32 $0x13800, s10  }
0x11: {  	s10 =	sadd.s32 $0x1A00, s13;
	s14 =	smax.u32 s14, $0x1;
	v1 =	vmov s23;
	s23 =	simm.s32 $0x2  }
0x12: {  	s7 =	sadd.s32 s9, s12;
	s9 =	sadd.s32 s9, s16;
	s12 =	sadd.s32 s0, s12  }
0x13: {  	s13 =	sadd.s32 s0, s16;
	s15 =	sshrl.u32 s15, $0x3;
	s16 =	simm.s32 $0x3  }
.LBB2_1:
0x14: {  	[spmem:s15], [sflag:s8] =	dma.local [hbm:s7], $0x1380  }
0x15: {  	_ =	swait.ge [sflag:s16], $0x1380  }
0x16: {  	[sflag:s16] =	ssyncset.done $0x0  }
0x17: {  	s0 =	simm.s32 @!p0 $0x3;
	[sflag:s16] =	ssyncadd.s32 $0xFFFFEC80  }
0x18: {  	[spmem:s17], [sflag:s8] =	dma.local @!p0 [hbm:s9], $0x80  }
0x19: {  	_ =	swait.ge @!p0 [sflag:s0], $0x80  }
0x1a: {  	[sflag:s0] =	ssyncset.done @!p0 $0x0  }
0x1b: {  	[sflag:s0] =	ssyncadd.s32 @!p0 $0xFFFFFF80  }
0x1c: {  	[tilespmem:s3], [sflag:$0x3] =	stream.linear.gather [hbm4b:s10+s3], $0x7D00, $0x38;
	[tilespmem:$0x1EC80] =	vst v63  }
0x1d: {  	_ =	swait.ge [sflag:s16], $0x7D00  }
0x1e: {  	[sflag:s16] =	ssyncset.done $0x0  }
0x1f: {  	[sflag:s16] =	ssyncadd.s32 $0xFFFF8300  }
0x20: {  	[tilespmem:s18], [sflag:$0x3] =	stream.linear.gather [hbm4b:s11+s3], $0x7D00, $0x38;
	[tilespmem:$0x1EC80] =	vst v63  }
0x21: {  	_ =	swait.ge [sflag:s16], $0x7D00  }
0x22: {  	[sflag:s16] =	ssyncset.done $0x0  }
0x23: {  	s0 =	simm.s32 $0x8080;
	[sflag:s16] =	ssyncadd.s32 $0xFFFF8300  }
0x24: {  	v6 =	vld [tilespmem:s0+$0x40]  }
0x25: {  	v8 =	vld [tilespmem:s0+$0xFFFFFF90]  }
0x26: {  	v11 =	vld [tilespmem:s0+$0xFFFFFFA0]  }
0x27: {  	v2 =	vld [tilespmem:s0+$0xFFFFFFB0]  }
0x28: {  	v3 =	vld [tilespmem:s0+$0xFFFFFFC0]  }
0x29: {  	v4 =	vld [tilespmem:s0+$0x0]  }
0x2a: {  	vm0 =	vge.s32 v6, v0;
	vm1 =	vlt.s32 v6, v1  }
0x2b: {  	v5 =	vld [tilespmem:s0+$0x10];
	vm2 =	vge.s32 v8, v0;
	v7 =	vsub.s32 v6, v0;
	vm3 =	vge.s32 v11, v0  }
0x2c: {  	v10 =	vld [tilespmem:s0+$0xFFFFFF80];
	vm4 =	vlt.s32 v11, v1;
	vm5 =	vge.s32 v2, v0;
	vm6 =	vlt.s32 v2, v1  }
0x2d: {  	vm7 =	vge.s32 v3, v0;
	vm8 =	vlt.s32 v3, v1;
	vm0 =	vmand vm0, vm1  }
0x2e: {  	v6 =	vld [tilespmem:s0+$0x20];
	vm9 =	vlt.s32 v4, v1;
	vm1 =	vlt.s32 v8, v1;
	v9 =	vnsel vm0, $0x1388, v7  }
0x2f: {  	v7 =	vld [tilespmem:s0+$0x30];
	vm0 =	vmand vm2, vm1;
	vm1 =	vmand vm3, vm4;
	vm4 =	vge.s32 v4, v0  }
0x30: {  	vm2 =	vmand vm5, vm6;
	vm5 =	vge.s32 v5, v0;
	vm6 =	vlt.s32 v5, v1  }
0x31: {  	vm3 =	vmand vm7, vm8;
	vm8 =	vge.s32 v10, v0;
	vm4 =	vmand vm4, vm9  }
0x32: {  	vm5 =	vmand vm5, vm6;
	vm6 =	vlt.s32 v10, v1;
	[tilespmem:s0+$0x40] =	vst v9;
	v9 =	vsub.s32 v10, v0  }
0x33: {  	v10 =	vsub.s32 v8, v0;
	v8 =	vsub.s32 v11, v0;
	vm7 =	vge.s32 v6, v0  }
0x34: {  	vm10 =	vlt.s32 v6, v1;
	vm9 =	vge.s32 v7, v0;
	vm11 =	vlt.s32 v7, v1  }
0x35: {  	s25 =	simm.s32 $0x0;
	s26 =	simm.s32 $0x8180;
	vm8 =	vmand vm8, vm6;
	vm7 =	vmand vm7, vm10;
	vm6 =	vmand vm9, vm11  }
.LBB2_2:
0x36: {  	v11 =	vld [tilespmem:s26+$0x40];
	s25 =	sadd.s32 $0x2, s25;
	v12 =	vsub.s32 v2, v0;
	v3 =	vsub.s32 v3, v0;
	v4 =	vsub.s32 v4, v0  }
0x37: {  	v5 =	vsub.s32 v5, v0;
	v6 =	vsub.s32 v6, v0;
	v7 =	vsub.s32 v7, v0;
	v13 =	vld [tilespmem:s26+$0xFFFFFF90];
	p1 =	slt.u32 s25, $0xF8  }
0x38: {  	v9 =	vnsel vm8, $0x1388, v9;
	v10 =	vnsel vm0, $0x1388, v10;
	v8 =	vnsel vm1, $0x1388, v8;
	v14 =	vld [tilespmem:s26+$0xFFFFFFA0]  }
0x39: {  	v15 =	vnsel vm4, $0x1388, v4;
	v2 =	vld [tilespmem:s26+$0xFFFFFFB0];
	[tilespmem:s0+$0xFFFFFF80] =	vst v9;
	v9 =	vnsel vm2, $0x1388, v12;
	v12 =	vnsel vm3, $0x1388, v3  }
0x3a: {  	v16 =	vnsel vm7, $0x1388, v6;
	v17 =	vnsel vm6, $0x1388, v7;
	v3 =	vld [tilespmem:s26+$0xFFFFFFC0];
	[tilespmem:s0+$0xFFFFFF90] =	vst v10;
	v10 =	vnsel vm5, $0x1388, v5  }
0x3b: {  	v4 =	vld [tilespmem:s26+$0x0];
	vm0 =	vge.s32 v11, v0;
	vm1 =	vlt.s32 v11, v1;
	[tilespmem:s0+$0xFFFFFFA0] =	vst v8  }
0x3c: {  	v7 =	vsub.s32 v11, v0;
	vm2 =	vge.s32 v13, v0;
	v5 =	vld [tilespmem:s26+$0x10];
	vm0 =	vmand vm0, vm1;
	[tilespmem:s0+$0xFFFFFFB0] =	vst v9  }
0x3d: {  	vm1 =	vlt.s32 v13, v1;
	vm3 =	vge.s32 v14, v0;
	v6 =	vld [tilespmem:s26+$0x20];
	v8 =	vnsel vm0, $0x1388, v7;
	[tilespmem:s0+$0xFFFFFFC0] =	vst v12  }
0x3e: {  	vm4 =	vlt.s32 v14, v1;
	vm5 =	vge.s32 v2, v0;
	vm6 =	vlt.s32 v2, v1;
	v7 =	vld [tilespmem:s26+$0x30];
	[tilespmem:s26+$0x40] =	vst v8  }
0x3f: {  	vm0 =	vmand vm2, vm1;
	v8 =	vld [tilespmem:s26+$0xFFFFFF80];
	vm7 =	vge.s32 v3, v0;
	vm8 =	vlt.s32 v3, v1;
	[tilespmem:s0+$0x0] =	vst v15  }
0x40: {  	vm1 =	vmand vm3, vm4;
	vm4 =	vge.s32 v4, v0;
	vm9 =	vlt.s32 v4, v1;
	[tilespmem:s0+$0x10] =	vst v10  }
0x41: {  	vm2 =	vmand vm5, vm6;
	vm5 =	vge.s32 v5, v0;
	vm6 =	vlt.s32 v5, v1;
	[tilespmem:s0+$0x20] =	vst v16  }
.Ltmp0:
0x42: {  	vm3 =	vmand vm7, vm8;
	vm7 =	vge.s32 v6, v0;
	vm10 =	vlt.s32 v6, v1;
	[tilespmem:s0+$0x30] =	vst v17;
	s0 =	smov.u32 s26;
	(pc) =	sbr.rel @p1 .LBB2_2-.Ltmp0, $4  }
0x43: {  	vm4 =	vmand vm4, vm9;
	vm9 =	vge.s32 v7, v0;
	vm11 =	vlt.s32 v7, v1  }
0x44: {  	vm5 =	vmand vm5, vm6;
	vm8 =	vge.s32 v8, v0;
	vm12 =	vlt.s32 v8, v1  }
0x45: {  	vm7 =	vmand vm7, vm10;
	vm6 =	vmand vm9, vm11;
	vm8 =	vmand vm8, vm12  }
0x46: {  	v10 =	vsub.s32 v13, v0;
	s26 =	sadd.s32 $0x100, s26;
	v9 =	vsub.s32 v8, v0;
	v8 =	vsub.s32 v14, v0  }
0x47: {  	v9 =	vnsel vm8, $0x1388, v9  }
0x48: {  	v10 =	vnsel vm0, $0x1388, v10;
	[tilespmem:s0+$0xFFFFFF80] =	vst v9  }
0x49: {  	v2 =	vsub.s32 v2, v0;
	v8 =	vnsel vm1, $0x1388, v8;
	[tilespmem:s0+$0xFFFFFF90] =	vst v10  }
0x4a: {  	v3 =	vsub.s32 v3, v0;
	v2 =	vnsel vm2, $0x1388, v2;
	[tilespmem:s0+$0xFFFFFFA0] =	vst v8  }
0x4b: {  	v4 =	vsub.s32 v4, v0;
	v3 =	vnsel vm3, $0x1388, v3;
	[tilespmem:s0+$0xFFFFFFB0] =	vst v2  }
0x4c: {  	v4 =	vnsel vm4, $0x1388, v4;
	v2 =	vsub.s32 v5, v0;
	[tilespmem:s0+$0xFFFFFFC0] =	vst v3  }
0x4d: {  	v3 =	vsub.s32 v6, v0;
	[tilespmem:s0+$0x0] =	vst v4;
	v2 =	vnsel vm5, $0x1388, v2  }
0x4e: {  	v63 =	vsub.s32 v7, v0;
	v3 =	vnsel vm7, $0x1388, v3;
	[tilespmem:s0+$0x10] =	vst v2  }
0x4f: {  	v2 =	vnsel vm6, $0x1388, v63;
	[tilespmem:s0+$0x20] =	vst v3  }
0x50: {  	[tilespmem:s0+$0x30] =	vst v2  }
0x51: {  	s25 =	simm.s32 $0x0;
	[bflag:$0x0] =	sbarrier.arrive $0xFFFF  }
.LBB2_4:
0x52: {  	s26 =	sshll.u32 s25, $0x7;
	s0 =	smul.u32 $0x50, s25  }
0x53: {  	[tilespmem:s20], [sflag:$0x1] =	stream.indirect.gather [hbm4b:s1+s19], $0x80, s26, s19, $0xb8;
	[tilespmem:$0x1EC80] =	vst v63  }
0x54: {  	s0 =	sadd.s32 s6, s0  }
0x55: {  	s0 =	sshll.u32 s0, $0x4  }
0x56: {  	s0 =	sadd.s32 s5, s0  }
0x57: {  	[tilespmem:s21], [sflag:$0x2] =	stream.linear.gather [hbm4b:s0+s3], $0x2800, $0x38;
	[tilespmem:$0x1EC80] =	vst v63  }
0x58: {  	_ =	swait.ge [sflag:s22], $0x2800  }
0x59: {  	[sflag:s22] =	ssyncset.done $0x0  }
0x5a: {  	[sflag:s22] =	ssyncadd.s32 $0xFFFFD800  }
0x5b: {  	_ =	swait.ge [sflag:s23], $0x2800  }
0x5c: {  	[sflag:s23] =	ssyncset.done $0x0  }
0x5d: {  	s28 =	simm.s32 $0x12900;
	[sflag:s23] =	ssyncadd.s32 $0xFFFFD800  }
0x5e: {  	s29 =	simm.s32 $0x10100;
	v2 =	vld [tilespmem:s28+$0x80]  }
0x5f: {  	v3 =	vld [tilespmem:s29+$0x80]  }
0x60: {  	v4 =	vld [tilespmem:s29+$0xFFFFFF00]  }
0x61: {  	v5 =	vld [tilespmem:s28+$0xFFFFFF80]  }
0x62: {  	v6 =	vld [tilespmem:s29+$0xFFFFFF80]  }
0x63: {  	v7 =	vld [tilespmem:s29+$0x0]  }
0x64: {  	v2 =	vadd.f32 v3, v2;
	v3 =	vld [tilespmem:s28+$0x0]  }
0x65: {  	v8 =	vld [tilespmem:s28+$0xFFFFFF00]  }
0x66: {  	v2 =	vmax.f32 v2, $0.0e+00  }
0x67: {  	v5 =	vadd.f32 v6, v5;
	[tilespmem:s28+$0x80] =	vst v2;
	v2 =	vld [tilespmem:s28+$0x90]  }
0x68: {  	v9 =	vld [tilespmem:s29+$0x90]  }
0x69: {  	v10 =	vld [tilespmem:s28+$0xFFFFFF90];
	v5 =	vmax.f32 v5, $0.0e+00;
	v3 =	vadd.f32 v7, v3  }
0x6a: {  	v6 =	vld [tilespmem:s28+$0xFFFFFF10];
	v4 =	vadd.f32 v4, v8;
	[tilespmem:s28+$0xFFFFFF80] =	vst v5  }
0x6b: {  	v7 =	vld [tilespmem:s29+$0xFFFFFF90];
	v3 =	vmax.f32 v3, $0.0e+00  }
0x6c: {  	v4 =	vmax.f32 v4, $0.0e+00;
	v5 =	vld [tilespmem:s28+$0x10];
	[tilespmem:s28+$0x0] =	vst v3  }
0x6d: {  	[tilespmem:s28+$0xFFFFFF00] =	vst v4;
	v2 =	vadd.f32 v9, v2;
	v3 =	vld [tilespmem:s29+$0x10]  }
0x6e: {  	v4 =	vld [tilespmem:s29+$0xFFFFFF10]  }
0x6f: {  	v2 =	vmax.f32 v2, $0.0e+00  }
0x70: {  	v7 =	vadd.f32 v7, v10;
	[tilespmem:s28+$0x90] =	vst v2;
	v2 =	vld [tilespmem:s28+$0xA0]  }
0x71: {  	v9 =	vld [tilespmem:s29+$0xA0]  }
0x72: {  	v8 =	vld [tilespmem:s28+$0xFFFFFF20];
	v7 =	vmax.f32 v7, $0.0e+00;
	v3 =	vadd.f32 v3, v5  }
0x73: {  	v4 =	vadd.f32 v4, v6;
	v10 =	vld [tilespmem:s28+$0xFFFFFFA0];
	[tilespmem:s28+$0xFFFFFF90] =	vst v7  }
0x74: {  	v6 =	vld [tilespmem:s29+$0xFFFFFFA0];
	v3 =	vmax.f32 v3, $0.0e+00  }
0x75: {  	v4 =	vmax.f32 v4, $0.0e+00;
	v5 =	vld [tilespmem:s28+$0x20];
	[tilespmem:s28+$0x10] =	vst v3  }
0x76: {  	[tilespmem:s28+$0xFFFFFF10] =	vst v4;
	v2 =	vadd.f32 v9, v2;
	v3 =	vld [tilespmem:s29+$0x20]  }
0x77: {  	v4 =	vld [tilespmem:s29+$0xFFFFFF20]  }
0x78: {  	v2 =	vmax.f32 v2, $0.0e+00  }
0x79: {  	v6 =	vadd.f32 v6, v10;
	[tilespmem:s28+$0xA0] =	vst v2;
	v2 =	vld [tilespmem:s28+$0xB0]  }
0x7a: {  	v9 =	vld [tilespmem:s29+$0xB0]  }
0x7b: {  	v11 =	vld [tilespmem:s28+$0x30];
	v6 =	vmax.f32 v6, $0.0e+00;
	v3 =	vadd.f32 v3, v5  }
0x7c: {  	v4 =	vadd.f32 v4, v8;
	v10 =	vld [tilespmem:s28+$0xFFFFFFB0];
	[tilespmem:s28+$0xFFFFFFA0] =	vst v6  }
0x7d: {  	v5 =	vld [tilespmem:s29+$0xFFFFFFB0];
	v3 =	vmax.f32 v3, $0.0e+00  }
0x7e: {  	v7 =	vld [tilespmem:s28+$0xFFFFFF30];
	[tilespmem:s28+$0x20] =	vst v3;
	v3 =	vmax.f32 v4, $0.0e+00  }
0x7f: {  	v2 =	vadd.f32 v9, v2;
	[tilespmem:s28+$0xFFFFFF20] =	vst v3;
	v3 =	vld [tilespmem:s29+$0x30]  }
0x80: {  	v8 =	vld [tilespmem:s29+$0xFFFFFF30]  }
0x81: {  	v12 =	vld [tilespmem:s28+$0xFFFFFF40];
	v2 =	vmax.f32 v2, $0.0e+00  }
0x82: {  	v5 =	vadd.f32 v5, v10;
	[tilespmem:s28+$0xB0] =	vst v2;
	v2 =	vld [tilespmem:s28+$0xC0]  }
0x83: {  	v9 =	vld [tilespmem:s29+$0xC0]  }
0x84: {  	v13 =	vld [tilespmem:s28+$0xFFFFFFD0];
	v5 =	vmax.f32 v5, $0.0e+00;
	v3 =	vadd.f32 v3, v11  }
0x85: {  	v6 =	vld [tilespmem:s28+$0xFFFFFFC0];
	[tilespmem:s28+$0xFFFFFFB0] =	vst v5;
	v7 =	vadd.f32 v8, v7  }
0x86: {  	v8 =	vld [tilespmem:s29+$0xFFFFFFC0];
	v3 =	vmax.f32 v3, $0.0e+00  }
0x87: {  	v4 =	vld [tilespmem:s28+$0x40];
	[tilespmem:s28+$0x30] =	vst v3;
	v3 =	vmax.f32 v7, $0.0e+00  }
0x88: {  	v2 =	vadd.f32 v9, v2;
	v7 =	vld [tilespmem:s29+$0x40];
	[tilespmem:s28+$0xFFFFFF30] =	vst v3  }
0x89: {  	v3 =	vld [tilespmem:s29+$0xFFFFFF40]  }
0x8a: {  	v10 =	vld [tilespmem:s28+$0xFFFFFF50];
	v2 =	vmax.f32 v2, $0.0e+00  }
0x8b: {  	[tilespmem:s28+$0xC0] =	vst v2;
	v2 =	vadd.f32 v8, v6;
	v8 =	vld [tilespmem:s28+$0xD0]  }
0x8c: {  	v9 =	vld [tilespmem:s29+$0xD0]  }
0x8d: {  	v5 =	vld [tilespmem:s28+$0xFFFFFF60];
	v2 =	vmax.f32 v2, $0.0e+00;
	v4 =	vadd.f32 v7, v4  }
0x8e: {  	v11 =	vld [tilespmem:s28+$0x50];
	[tilespmem:s28+$0xFFFFFFC0] =	vst v2;
	v2 =	vadd.f32 v3, v12  }
0x8f: {  	v3 =	vld [tilespmem:s29+$0xFFFFFFD0];
	v4 =	vmax.f32 v4, $0.0e+00  }
0x90: {  	v6 =	vld [tilespmem:s28+$0xFFFFFFE0];
	[tilespmem:s28+$0x40] =	vst v4;
	v2 =	vmax.f32 v2, $0.0e+00  }
0x91: {  	v4 =	vld [tilespmem:s29+$0x50];
	v8 =	vadd.f32 v9, v8;
	[tilespmem:s28+$0xFFFFFF40] =	vst v2  }
0x92: {  	v2 =	vld [tilespmem:s29+$0xFFFFFF50]  }
0x93: {  	v7 =	vld [tilespmem:s28+$0x60];
	v8 =	vmax.f32 v8, $0.0e+00  }
0x94: {  	v3 =	vadd.f32 v3, v13;
	[tilespmem:s28+$0xD0] =	vst v8;
	v8 =	vld [tilespmem:s28+$0xE0]  }
0x95: {  	v12 =	vld [tilespmem:s29+$0xE0]  }
0x96: {  	v3 =	vmax.f32 v3, $0.0e+00;
	v9 =	vadd.f32 v4, v11;
	v4 =	vld [tilespmem:s28+$0xFFFFFF70]  }
0x97: {  	[tilespmem:s28+$0xFFFFFFD0] =	vst v3;
	v2 =	vadd.f32 v2, v10;
	v3 =	vld [tilespmem:s28+$0xFFFFFFF0]  }
0x98: {  	v10 =	vmax.f32 v9, $0.0e+00;
	v9 =	vld [tilespmem:s29+$0xFFFFFFE0]  }
0x99: {  	[tilespmem:s28+$0x50] =	vst v10;
	v10 =	vmax.f32 v2, $0.0e+00;
	v2 =	vld [tilespmem:s28+$0x70]  }
0x9a: {  	[tilespmem:s28+$0xFFFFFF50] =	vst v10;
	v10 =	vld [tilespmem:s29+$0x60];
	v8 =	vadd.f32 v12, v8  }
0x9b: {  	v11 =	vld [tilespmem:s29+$0xFFFFFF60]  }
0x9c: {  	s30 =	simm.s32 $0x0;
	s31 =	simm.s32 $0x12B00;
	s0 =	simm.s32 $0x10100;
	v12 =	vmax.f32 v8, $0.0e+00;
	v8 =	vld [tilespmem:s28+$0xF0]  }
.LBB2_5:
0x9d: {  	v13 =	vld [tilespmem:s31+$0x80];
	v6 =	vadd.f32 v9, v6;
	[tilespmem:s28+$0xE0] =	vst v12  }
0x9e: {  	s0 =	sadd.s32 $0x200, s0;
	v9 =	vld [tilespmem:s29+$0xF0]  }
0x9f: {  	s30 =	sadd.s32 $0x4, s30;
	v12 =	vld [tilespmem:s0+$0x80];
	v6 =	vmax.f32 v6, $0.0e+00;
	v7 =	vadd.f32 v10, v7  }
0xa0: {  	p1 =	slt.u32 s30, $0x4C;
	v10 =	vld [tilespmem:s0+$0xFFFFFF00];
	v5 =	vadd.f32 v11, v5;
	[tilespmem:s28+$0xFFFFFFE0] =	vst v6  }
0xa1: {  	v6 =	vld [tilespmem:s31+$0xFFFFFF80];
	v7 =	vmax.f32 v7, $0.0e+00  }
0xa2: {  	v11 =	vld [tilespmem:s0+$0xFFFFFF80];
	v5 =	vmax.f32 v5, $0.0e+00;
	[tilespmem:s28+$0x60] =	vst v7  }
0xa3: {  	v7 =	vld [tilespmem:s31+$0x0];
	[tilespmem:s28+$0xFFFFFF60] =	vst v5;
	v5 =	vadd.f32 v9, v8  }
0xa4: {  	v8 =	vld [tilespmem:s0+$0x0];
	v9 =	vadd.f32 v12, v13  }
0xa5: {  	v12 =	vld [tilespmem:s31+$0xFFFFFF00];
	v5 =	vmax.f32 v5, $0.0e+00  }
0xa6: {  	v13 =	vld [tilespmem:s31+$0xFFFFFF10];
	v9 =	vmax.f32 v9, $0.0e+00;
	[tilespmem:s28+$0xF0] =	vst v5  }
0xa7: {  	v5 =	vadd.f32 v11, v6;
	[tilespmem:s31+$0x80] =	vst v9;
	v6 =	vld [tilespmem:s31+$0x90]  }
0xa8: {  	v9 =	vld [tilespmem:s0+$0x90]  }
0xa9: {  	v5 =	vmax.f32 v5, $0.0e+00;
	v11 =	vld [tilespmem:s31+$0xFFFFFF90];
	v7 =	vadd.f32 v8, v7  }
0xaa: {  	v8 =	vadd.f32 v10, v12;
	[tilespmem:s31+$0xFFFFFF80] =	vst v5;
	v5 =	vld [tilespmem:s31+$0x10]  }
0xab: {  	v10 =	vld [tilespmem:s0+$0xFFFFFF90];
	v7 =	vmax.f32 v7, $0.0e+00  }
0xac: {  	v8 =	vmax.f32 v8, $0.0e+00;
	v12 =	vld [tilespmem:s31+$0xFFFFFF20];
	[tilespmem:s31+$0x0] =	vst v7  }
0xad: {  	[tilespmem:s31+$0xFFFFFF00] =	vst v8;
	v7 =	vld [tilespmem:s0+$0x10];
	v6 =	vadd.f32 v9, v6  }
0xae: {  	v8 =	vld [tilespmem:s0+$0xFFFFFF10]  }
0xaf: {  	v9 =	vld [tilespmem:s31+$0xFFFFFFA0];
	v6 =	vmax.f32 v6, $0.0e+00  }
0xb0: {  	v10 =	vadd.f32 v10, v11;
	[tilespmem:s31+$0x90] =	vst v6;
	v6 =	vld [tilespmem:s31+$0xA0]  }
0xb1: {  	v11 =	vld [tilespmem:s0+$0xA0]  }
0xb2: {  	v10 =	vmax.f32 v10, $0.0e+00;
	v5 =	vadd.f32 v7, v5;
	v7 =	vld [tilespmem:s31+$0x20]  }
0xb3: {  	v8 =	vadd.f32 v8, v13;
	v13 =	vld [tilespmem:s31+$0xFFFFFF30];
	[tilespmem:s31+$0xFFFFFF90] =	vst v10  }
0xb4: {  	v10 =	vld [tilespmem:s0+$0xFFFFFFA0];
	v5 =	vmax.f32 v5, $0.0e+00  }
0xb5: {  	v8 =	vmax.f32 v8, $0.0e+00;
	v14 =	vld [tilespmem:s31+$0xFFFFFFB0];
	[tilespmem:s31+$0x10] =	vst v5  }
0xb6: {  	[tilespmem:s31+$0xFFFFFF10] =	vst v8;
	v5 =	vld [tilespmem:s0+$0x20];
	v6 =	vadd.f32 v11, v6  }
0xb7: {  	v8 =	vld [tilespmem:s0+$0xFFFFFF20]  }
0xb8: {  	v11 =	vld [tilespmem:s31+$0x30];
	v6 =	vmax.f32 v6, $0.0e+00  }
0xb9: {  	v9 =	vadd.f32 v10, v9;
	[tilespmem:s31+$0xA0] =	vst v6;
	v6 =	vld [tilespmem:s31+$0xB0]  }
0xba: {  	v10 =	vld [tilespmem:s0+$0xB0]  }
0xbb: {  	v15 =	vld [tilespmem:s31+$0xFFFFFF40];
	v9 =	vmax.f32 v9, $0.0e+00;
	v5 =	vadd.f32 v5, v7  }
0xbc: {  	v7 =	vadd.f32 v8, v12;
	[tilespmem:s31+$0xFFFFFFA0] =	vst v9;
	v8 =	vld [tilespmem:s31+$0xFFFFFFC0]  }
0xbd: {  	v9 =	vld [tilespmem:s0+$0xFFFFFFB0];
	v5 =	vmax.f32 v5, $0.0e+00  }
0xbe: {  	v7 =	vmax.f32 v7, $0.0e+00;
	[tilespmem:s31+$0x20] =	vst v5;
	v12 =	vld [tilespmem:s31+$0x40]  }
0xbf: {  	[tilespmem:s31+$0xFFFFFF20] =	vst v7;
	v5 =	vld [tilespmem:s0+$0x30];
	v6 =	vadd.f32 v10, v6  }
0xc0: {  	v7 =	vld [tilespmem:s0+$0xFFFFFF30]  }
0xc1: {  	v10 =	vld [tilespmem:s31+$0xFFFFFF50];
	v6 =	vmax.f32 v6, $0.0e+00  }
0xc2: {  	v9 =	vadd.f32 v9, v14;
	[tilespmem:s31+$0xB0] =	vst v6;
	v6 =	vld [tilespmem:s31+$0xC0]  }
0xc3: {  	v14 =	vld [tilespmem:s0+$0xC0]  }
0xc4: {  	v9 =	vmax.f32 v9, $0.0e+00;
	v16 =	vld [tilespmem:s31+$0xFFFFFFD0];
	v5 =	vadd.f32 v5, v11  }
0xc5: {  	v7 =	vadd.f32 v7, v13;
	[tilespmem:s31+$0xFFFFFFB0] =	vst v9;
	v9 =	vld [tilespmem:s31+$0x50]  }
0xc6: {  	v11 =	vld [tilespmem:s0+$0xFFFFFFC0];
	v13 =	vmax.f32 v5, $0.0e+00  }
0xc7: {  	v7 =	vmax.f32 v7, $0.0e+00;
	v5 =	vld [tilespmem:s31+$0xFFFFFF60];
	[tilespmem:s31+$0x30] =	vst v13  }
0xc8: {  	[tilespmem:s31+$0xFFFFFF30] =	vst v7;
	v7 =	vld [tilespmem:s0+$0x40];
	v13 =	vadd.f32 v14, v6  }
0xc9: {  	v14 =	vld [tilespmem:s0+$0xFFFFFF40]  }
0xca: {  	v6 =	vld [tilespmem:s31+$0xFFFFFFE0];
	v13 =	vmax.f32 v13, $0.0e+00  }
0xcb: {  	v8 =	vadd.f32 v11, v8;
	[tilespmem:s31+$0xC0] =	vst v13;
	v11 =	vld [tilespmem:s31+$0xD0]  }
0xcc: {  	v13 =	vld [tilespmem:s0+$0xD0]  }
0xcd: {  	v8 =	vmax.f32 v8, $0.0e+00;
	v12 =	vadd.f32 v7, v12;
	v7 =	vld [tilespmem:s31+$0x60]  }
0xce: {  	v14 =	vadd.f32 v14, v15;
	[tilespmem:s31+$0xFFFFFFC0] =	vst v8;
	v8 =	vld [tilespmem:s29+$0xFFFFFF70]  }
0xcf: {  	v15 =	vld [tilespmem:s0+$0xFFFFFFD0];
	v12 =	vmax.f32 v12, $0.0e+00  }
0xd0: {  	v14 =	vmax.f32 v14, $0.0e+00;
	[tilespmem:s31+$0x40] =	vst v12;
	v12 =	vld [tilespmem:s29+$0xFFFFFFF0]  }
0xd1: {  	[tilespmem:s31+$0xFFFFFF40] =	vst v14;
	v14 =	vld [tilespmem:s0+$0x50];
	v11 =	vadd.f32 v13, v11  }
0xd2: {  	v13 =	vld [tilespmem:s0+$0xFFFFFF50]  }
0xd3: {  	v11 =	vmax.f32 v11, $0.0e+00;
	v4 =	vadd.f32 v8, v4;
	v8 =	vld [tilespmem:s29+$0x70];
	s29 =	smov.u32 s0  }
0xd4: {  	v15 =	vadd.f32 v15, v16;
	[tilespmem:s31+$0xD0] =	vst v11;
	v11 =	vld [tilespmem:s31+$0xE0]  }
0xd5: {  	v16 =	vld [tilespmem:s0+$0xE0];
	v17 =	vmax.f32 v4, $0.0e+00;
	v12 =	vadd.f32 v12, v3  }
0xd6: {  	v4 =	vld [tilespmem:s31+$0xFFFFFF70];
	v3 =	vmax.f32 v15, $0.0e+00;
	v14 =	vadd.f32 v14, v9;
	[tilespmem:s28+$0xFFFFFF70] =	vst v17  }
0xd7: {  	v10 =	vadd.f32 v13, v10;
	[tilespmem:s31+$0xFFFFFFD0] =	vst v3;
	v3 =	vld [tilespmem:s31+$0xFFFFFFF0];
	v12 =	vmax.f32 v12, $0.0e+00  }
.Ltmp1:
0xd8: {  	v9 =	vld [tilespmem:s0+$0xFFFFFFE0];
	v13 =	vmax.f32 v14, $0.0e+00;
	[tilespmem:s28+$0xFFFFFFF0] =	vst v12;
	v8 =	vadd.f32 v8, v2;
	(pc) =	sbr.rel @p1 .LBB2_5-.Ltmp1, $4  }
0xd9: {  	v10 =	vmax.f32 v10, $0.0e+00;
	[tilespmem:s31+$0x50] =	vst v13;
	v2 =	vld [tilespmem:s31+$0x70]  }
0xda: {  	[tilespmem:s31+$0xFFFFFF50] =	vst v10;
	v10 =	vld [tilespmem:s0+$0x60];
	v12 =	vadd.f32 v16, v11;
	v8 =	vmax.f32 v8, $0.0e+00  }
0xdb: {  	v11 =	vld [tilespmem:s0+$0xFFFFFF60];
	[tilespmem:s28+$0x70] =	vst v8;
	s28 =	smov.u32 s31  }
0xdc: {  	s31 =	sadd.s32 $0x200, s31;
	v12 =	vmax.f32 v12, $0.0e+00;
	v8 =	vld [tilespmem:s28+$0xF0]  }
0xdd: {  	_ = 	snop  }
0xde: {  	v6 =	vadd.f32 v9, v6  }
0xdf: {  	v7 =	vadd.f32 v10, v7  }
0xe0: {  	[tilespmem:s28+$0xE0] =	vst v12;
	v6 =	vmax.f32 v6, $0.0e+00;
	v5 =	vadd.f32 v11, v5  }
0xe1: {  	v58 =	vld [tilespmem:s29+$0xF0];
	[tilespmem:s28+$0xFFFFFFE0] =	vst v6;
	v59 =	vmax.f32 v7, $0.0e+00  }
0xe2: {  	v61 =	vld [tilespmem:s29+$0xFFFFFFF0];
	v5 =	vmax.f32 v5, $0.0e+00;
	[tilespmem:s28+$0x60] =	vst v59  }
0xe3: {  	[tilespmem:s28+$0xFFFFFF60] =	vst v5;
	v62 =	vld [tilespmem:s29+$0x70]  }
0xe4: {  	v60 =	vld [tilespmem:s29+$0xFFFFFF70];
	_ =	sdelay $0x1  }
0xe5: {  	v8 =	vadd.f32 v58, v8  }
0xe6: {  	v3 =	vadd.f32 v61, v3  }
0xe7: {  	v63 =	vmax.f32 v8, $0.0e+00;
	v2 =	vadd.f32 v62, v2  }
0xe8: {  	[tilespmem:s28+$0xF0] =	vst v63;
	v3 =	vmax.f32 v3, $0.0e+00;
	v4 =	vadd.f32 v60, v4  }
0xe9: {  	s25 =	sadd.s32 $0x1, s25;
	[tilespmem:s28+$0xFFFFFFF0] =	vst v3;
	v2 =	vmax.f32 v2, $0.0e+00  }
0xea: {  	p1 =	sne.s32 s25, $0xFA;
	v4 =	vmax.f32 v4, $0.0e+00;
	[tilespmem:s28+$0x70] =	vst v2  }
.Ltmp2:
0xeb: {  	s0 =	sadd.s32 $0x8000, s26;
	[tilespmem:s28+$0xFFFFFF70] =	vst v4;
	(pc) =	sbr.rel @p1 .LBB2_4-.Ltmp2, $4  }
0xec: {  	[spmem:s2] =	stream.indirect.scatter.add.f32 [tilespmem:s21], [sflag:$0x3], $0x80, s0, s19, $0xb8;
	[tilespmem:$0x1EC80] =	vst v63  }
0xed: {  	_ =	swait.ge [sflag:s16], $0x2800  }
0xee: {  	[sflag:s16] =	ssyncset.done $0x0  }
0xef: {  	[sflag:s16] =	ssyncadd.s32 $0xFFFFD800  }
0xf0: {  	[bflag:$0x0] =	sbarrier.arrive $0xFFFF  }
0xf1: {  	[hbm:s12], [sflag:s8] =	dma.local [spmem:s15], $0x1380  }
0xf2: {  	_ =	swait.ge [sflag:s16], $0x1380  }
0xf3: {  	s24 =	sadd.s32 $0x1, s24;
	[sflag:s16] =	ssyncset.done $0x0  }
0xf4: {  	s0 =	simm.s32 @!p0 $0x3;
	p1 =	sne.s32 s24, s14;
	[sflag:s16] =	ssyncadd.s32 $0xFFFFEC80  }
0xf5: {  	[hbm:s13], [sflag:s8] =	dma.local @!p0 [spmem:s17], $0x80  }
.Ltmp3:
0xf6: {  	_ =	swait.ge @!p0 [sflag:s0], $0x80;
	(pc) =	sbr.rel @p1 .LBB2_1-.Ltmp3, $3  }
0xf7: {  	[sflag:s0] =	ssyncset.done @!p0 $0x0  }
0xf8: {  	[sflag:s0] =	ssyncadd.s32 @!p0 $0xFFFFFF80  }
0xf9: {  	[bflag:$0x0] =	sbarrier.arrive $0xFFFF;
	_ =	sdelay $0x1  }
0xfa: {  	_ =	sfence.sel $0x180000  }
0xfb: {  	[bflag:$0x0] =	sbarrier.arrive $0xFFFF  }
0xfc: {  	_ =	strace $0x90000047  }
0xfd: {  	[bflag:$0x2] =	sbarrier.arrive $0xFFFF  }
0xfe: {  	p0 =	sne.s32 s4, $0x0;
	s0 =	rddreg [dreg:$0x4]  }
0xff: {  	s0 =	sadd.s32 @!p0 $0x100000, s0  }
0x100: {  	[sflag:s0] =	ssyncadd.tile.s32 @!p0 $0x1;
	_ =	shalt  }
.Lfunc_end2:
_tile_overlayer_lowered:
.L_overlay_start_2:
0x101: {  	(tag) =	ssettag $0x2  }
0x102: {  	s0 =	rddreg [dreg:$0x0];
	s2 =	stileid.u32  }
0x103: {  	s1 =	rddreg [dreg:$0x1];
	p0 =	sne.s32 s2, $0x0  }
0x104: {  	s3 =	rddreg [dreg:$0x2];
	[bflag:$0x3] =	sbarrier.arrive $0xFFFF;
	s2 =	simm.s32 @!p0 $0x1C03  }
0x105: {  	[timem:s3], [sflag:s2] =	dma.local @!p0 [hbm:s0], s1  }
0x106: {  	s0 =	simm.s32 @!p0 $0x3  }
0x107: {  	_ =	swait.ge @!p0 [sflag:s0], s1  }
0x108: {  	s1 =	ssub.s32 @!p0 $0x0, s1;
	[sflag:s0] =	ssyncset.done @!p0 $0x0  }
0x109: {  	[sflag:s0] =	ssyncadd.s32 @!p0 s1  }
0x10a: {  	[bflag:$0x3] =	sbarrier.arrive $0xFFFF  }
0x10b: {  	_ =	shalt  }

// kernel: kernel.7.cloned.1.call-start
scs
__scs_entry_jumppad:
0x0: {  	(pc) =	sbr.rel $0x88, $3  }
0x1: {  	(tag) =	ssettag $0x0;
	lr =	simm.s32 $0x1  }
0x2: {  	[smem:$0x3F90] =	sst lr;
	_ =	strace $0xD0000000  }
0x3: {  	_ = 	snop  }
0x4: {  	_ = 	snop  }
0x5: {  	_ = 	snop  }
0x6: {  	_ = 	snop  }
0x7: {  	_ = 	snop  }
__scs_overlays_trampoline_lowered:
0x8: {  	[smem:$0x3F9F] =	sst s0  }
0x9: {  	[smem:$0x3FA0] =	sst s1  }
0xa: {  	[smem:$0x3FA1] =	sst s2  }
0xb: {  	[smem:$0x3FA2] =	sst s3  }
0xc: {  	[smem:$0x3FA3] =	sst s4  }
0xd: {  	[smem:$0x3FA4] =	sst s5  }
0xe: {  	[smem:$0x3FA5] =	sst s6  }
0xf: {  	[smem:$0x3FA6] =	sst s7  }
0x10: {  	[smem:$0x3FA7] =	sst s8  }
0x11: {  	[smem:$0x3FA8] =	sst s9;
	s0 =	simm.s32 @!p0 $0x0  }
0x12: {  	s1 =	sld [smem:$0x3F8E];
	s0 =	simm.s32 @p0 $0x1  }
0x13: {  	[smem:$0x3FA9] =	sst s0;
	s0 =	simm.s32 @!p1 $0x0  }
0x14: {  	s2 =	sld [smem:$0x3F8D];
	s0 =	simm.s32 @p1 $0x1  }
0x15: {  	[smem:$0x3FAA] =	sst s0;
	s0 =	simm.s32 @!p2 $0x0  }
0x16: {  	s3 =	sld [smem:$0x3FDB];
	s0 =	simm.s32 @p2 $0x1  }
0x17: {  	s4 =	simm.s32 $0x1BF5;
	[smem:$0x3FAC] =	sst s0  }
0x18: {  	s0 =	sld [smem:$0x3F8F];
	_ =	swait.ge [sflag:s4], $0x0  }
0x19: {  	s7 =	sld [smem:$0x3F90]  }
0x1a: {  	s8 =	sadd.s32 $0xFFFFE003, lr  }
0x1b: {  	s9 =	sadd.s32 $0xFFFFFEF7, lr;
	s5 =	simm.s32 $0xFFFFFFFF;
	p2 =	slt.u32 s8, $0xFFFFF086  }
0x1c: {  	p1 =	slt.u32 s9, $0xF7A;
	s5 =	simm.s32 @!p2 $0x0  }
0x1d: {  	s5 =	simm.s32 @p1 $0x1;
	p0 =	seq.s32 s7, s2  }
0x1e: {  	s7 =	smul.u32 @!p0 $0xF7A, s2;
	p2 =	seq.s32 @!p0 s5, $0x0  }
0x1f: {  	s9 =	smul.u32 $0xF7A, s1;
	s8 =	simm.s32 @!p0 $0x1BF5;
	p2 =	por !p2, p0  }
0x20: {  	[sflag:s8] =	ssyncset.s32 @!p0 $0xFFFFF086;
	s6 =	sadd.s32 @!p0 s3, s7;
	s7 =	simm.s32 @!p0 $0x108  }
0x21: {  	s3 =	sadd.s32 s3, s9;
	s6 =	sadd.s32 @!p0 $0x88, s6;
	s7 =	simm.s32 @p2 $0x1082  }
0x22: {  	[simem:s7], [sflag:s8] =	dma.local @!p0 [hbm:s6], $0xF7A  }
0x23: {  	s9 =	sor.u32 $0xD0000000, s2;
	s6 =	simm.s32 $0x108;
	_ =	swait.ge @!p0 [sflag:s8], $0x0  }
0x24: {  	s3 =	sadd.s32 $0x88, s3;
	s6 =	simm.s32 @!p1 $0x1082;
	[sflag:s4] =	ssyncset.s32 $0xFFFFF086  }
0x25: {  	[simem:s6], [sflag:s4] =	dma.local [hbm:s3], $0xF7A  }
0x26: {  	[smem:$0x3F90] =	sst s1;
	(tag) =	ssettag s2;
	_ =	strace s9  }
0x27: {  	s1 =	sld [smem:$0x3FA0]  }
0x28: {  	s2 =	sld [smem:$0x3FA1]  }
0x29: {  	s4 =	sld [smem:$0x3FA3]  }
0x2a: {  	p0 =	seq.s32 s5, $0x0;
	s5 =	sld [smem:$0x3FA4]  }
0x2b: {  	s6 =	sld [smem:$0x3FA5]  }
0x2c: {  	s7 =	sld [smem:$0x3FA6]  }
0x2d: {  	s3 =	simm.s32 $0x108;
	s8 =	sld [smem:$0x3FA7]  }
0x2e: {  	s3 =	simm.s32 @!p0 $0x1082;
	s9 =	sld [smem:$0x3FA8]  }
0x2f: {  	lr =	sadd.s32 s0, s3;
	s0 =	sld [smem:$0x3F9F]  }
0x30: {  	s3 =	sld [smem:$0x3FA2]  }
0x31: {  	[smem:$0x3FAB] =	sst s10  }
0x32: {  	s10 =	sld [smem:$0x3FA9];
	_ =	sdelay $0x3  }
0x33: {  	p0 =	seq.s32 s10, $0x1;
	s10 =	sld [smem:$0x3FAB];
	_ =	sdelay $0x3  }
0x34: {  	[smem:$0x3FAB] =	sst s10  }
0x35: {  	s10 =	sld [smem:$0x3FAA];
	_ =	sdelay $0x3  }
0x36: {  	p1 =	seq.s32 s10, $0x1;
	s10 =	sld [smem:$0x3FAB];
	_ =	sdelay $0x3  }
0x37: {  	[smem:$0x3FAB] =	sst s10  }
0x38: {  	s10 =	sld [smem:$0x3FAC]  }
0x39: {  	_ = 	snop;
	(pc) =	sbr.ind lr, $3  }
0x3a: {  	_ = 	snop  }
0x3b: {  	_ = 	snop  }
0x3c: {  	p2 =	seq.s32 s10, $0x1;
	s10 =	sld [smem:$0x3FAB]  }
0x3d: {  	_ =	shalt  }
0x3e: {  	_ =	shalt  }
0x3f: {  	_ =	shalt  }
0x40: {  	_ =	shalt  }
0x41: {  	_ =	shalt  }
0x42: {  	_ =	shalt  }
0x43: {  	_ =	shalt  }
0x44: {  	_ =	shalt  }
0x45: {  	_ =	shalt  }
0x46: {  	_ =	shalt  }
0x47: {  	_ =	shalt  }
0x48: {  	_ =	shalt  }
0x49: {  	_ =	shalt  }
0x4a: {  	_ =	shalt  }
0x4b: {  	_ =	shalt  }
0x4c: {  	_ =	shalt  }
0x4d: {  	_ =	shalt  }
0x4e: {  	_ =	shalt  }
0x4f: {  	_ =	shalt  }
0x50: {  	_ =	shalt  }
0x51: {  	_ =	shalt  }
0x52: {  	_ =	shalt  }
0x53: {  	_ =	shalt  }
0x54: {  	_ =	shalt  }
0x55: {  	_ =	shalt  }
0x56: {  	_ =	shalt  }
0x57: {  	_ =	shalt  }
0x58: {  	_ =	shalt  }
0x59: {  	_ =	shalt  }
0x5a: {  	_ =	shalt  }
0x5b: {  	_ =	shalt  }
0x5c: {  	_ =	shalt  }
0x5d: {  	_ =	shalt  }
0x5e: {  	_ =	shalt  }
0x5f: {  	_ =	shalt  }
0x60: {  	_ =	shalt  }
0x61: {  	_ =	shalt  }
0x62: {  	_ =	shalt  }
0x63: {  	_ =	shalt  }
0x64: {  	_ =	shalt  }
0x65: {  	_ =	shalt  }
0x66: {  	_ =	shalt  }
0x67: {  	_ =	shalt  }
0x68: {  	_ =	shalt  }
0x69: {  	_ =	shalt  }
0x6a: {  	_ =	shalt  }
0x6b: {  	_ =	shalt  }
0x6c: {  	_ =	shalt  }
0x6d: {  	_ =	shalt  }
0x6e: {  	_ =	shalt  }
0x6f: {  	_ =	shalt  }
0x70: {  	_ =	shalt  }
0x71: {  	_ =	shalt  }
0x72: {  	_ =	shalt  }
0x73: {  	_ =	shalt  }
0x74: {  	_ =	shalt  }
0x75: {  	_ =	shalt  }
0x76: {  	_ =	shalt  }
0x77: {  	_ =	shalt  }
0x78: {  	_ =	shalt  }
0x79: {  	_ =	shalt  }
0x7a: {  	_ =	shalt  }
0x7b: {  	_ =	shalt  }
0x7c: {  	_ =	shalt  }
0x7d: {  	_ =	shalt  }
0x7e: {  	_ =	shalt  }
0x7f: {  	_ =	shalt  }
0x80: {  	_ =	shalt  }
0x81: {  	_ =	shalt  }
0x82: {  	_ =	shalt  }
0x83: {  	_ =	shalt  }
0x84: {  	_ =	shalt  }
0x85: {  	_ =	shalt  }
0x86: {  	_ =	shalt  }
0x87: {  	_ =	shalt  }
.Lfunc_end0:
.L_simem_size_0:
called_computation_lowered:
.L_overlay_start_0:
0x88: {  	s2 =	sld [smem:$0x3FD9]  }
0x89: {  	s3 =	sld [smem:$0x3FFE];
	_ =	sdelay $0x1  }
0x8a: {  	s1 =	srdreg.scid  }
0x8b: {  	s0 =	sand.u32 $0x1, s1  }
0x8c: {  	s17 =	sshll.u32 s0, $0xA;
	s2 =	sadd.s32 s3, s2  }
0x8d: {  	s2 =	sadd.s32 s2, s17  }
0x8e: {  	[smem:$0x3FB7] =	sst s2  }
0x8f: {  	_ = 	snop  }
0x90: {  	s18 =	sld [smem:$0x3FC9]  }
0x91: {  	s4 =	sld [smem:$0x3FC5];
	(tm) =	ssettm $0x1  }
0x92: {  	s19 =	sld [smem:$0x3FFB];
	_ =	sdelay $0x3  }
0x93: {  	_ =	strace s19  }
0x94: {  	s2 =	sld [smem:$0x3FFC];
	_ =	sdelay $0x3  }
0x95: {  	_ =	strace s2  }
0x96: {  	s2 =	sld [smem:$0x3FFD];
	_ =	sdelay $0x3  }
0x97: {  	_ =	strace s2  }
0x98: {  	_ =	strace $0x8FFFFFFF  }
0x99: {  	s20 =	sld [smem:$0x3FDB];
	_ =	sdelay $0x1  }
0x9a: {  	s5 =	simm.s32 $_scs_section_size  }
0x9b: {  	s6 =	simm.s32 $_size__tile_overlayer_lowered;
	s7 =	simm.s32 $_tile_overlayer_lowered  }
0x9c: {  	s8 =	simm.s32 $0x1BFF;
	s21 =	sshll.u32 s7, $0x1;
	s5 =	sadd.s32 s5, s20  }
0x9d: {  	s22 =	simm.s32 $0x0;
	s6 =	sshll.u32 s6, $0x1;
	s7 =	sadd.s32 s21, s5  }
0x9e: {  	[timem:s22], [sflag:s8] =	dma.local [hbm:s7], s6  }
0x9f: {  	_ =	swait.ge [sflag:s8], s6  }
0xa0: {  	s6 =	ssub.s32 $0x0, s6;
	[sflag:s8] =	ssyncset.done $0x0  }
0xa1: {  	[sflag:s8] =	ssyncadd.s32 s6;
	_ =	sdelay $0x1  }
0xa2: {  	s23 =	simm.s32 $0x1B8B  }
0xa3: {  	_ =	swait.ge [sflag:s23], $0x1  }
0xa4: {  	[sflag:s23] =	ssyncset.done $0x0  }
0xa5: {  	[sflag:s23] =	ssyncadd.s32 $0xFFFFFFFF  }
0xa6: {  	s6 =	sld [smem:$0x0]  }
0xa7: {  	s7 =	sand.u32 $0xFFFFFFFE, s1  }
0xa8: {  	p0 =	sne.s32 s1, s7  }
0xa9: {  	s7 =	sshll.u32 @p0 s7, $0xE  }
0xaa: {  	s7 =	sadd.s32 @p0 $0x11B8D, s7;
	s8 =	sshll.u32 @p0 s6, $0x11  }
0xab: {  	s7 =	sor.u32 @p0 s8, s7  }
0xac: {  	[sflag:s7] =	ssyncadd.remote.s32 @p0 $0x1;
	_ =	sdelay $0x1  }
0xad: {  	s7 =	simm.s32 @p0 $0x1B8D  }
0xae: {  	_ =	swait.eq @p0 [sflag:s7], $0x1  }
0xaf: {  	[sflag:s7] =	ssyncadd.s32 @p0 $0xFFFFFFFF  }
0xb0: {  	s8 =	sshll.u32 @!p0 s1, $0xE  }
0xb1: {  	s8 =	sor.u32 @!p0 $0x4000, s8;
	s7 =	simm.s32 @!p0 $0x1B8D  }
0xb2: {  	s6 =	sshll.u32 @!p0 s6, $0x11;
	s8 =	sadd.s32 @!p0 $0x11B8D, s8;
	_ =	swait.eq @!p0 [sflag:s7], $0x1  }
0xb3: {  	s6 =	sor.u32 @!p0 s6, s8;
	[sflag:s7] =	ssyncadd.s32 @!p0 $0xFFFFFFFF  }
0xb4: {  	s25 =	simm.s32 $0x1B8E;
	s24 =	sld [smem:$0x3FFE];
	[sflag:s6] =	ssyncadd.remote.s32 @!p0 $0x1  }
0xb5: {  	s26 =	simm.s32 $execute0_lowered;
	[smem:$0x3FD2] =	sst s25  }
0xb6: {  	s7 =	sshll.u32 s26, $0x1;
	_ =	strace $0x80000049;
	[dreg:$0x1] =	wrdreg $0xFFFFFFFF  }
0xb7: {  	s28 =	simm.s32 $_size_execute0_lowered;
	s5 =	sadd.s32 s5, s7;
	[dreg:$0x0] =	wrdreg $0x0  }
0xb8: {  	s7 =	sshll.u32 s28, $0x1;
	[dreg:$0x2] =	wrdreg s5  }
0xb9: {  	[dreg:$0x3] =	wrdreg s7  }
0xba: {  	[dreg:$0x4] =	wrdreg $0xC0  }
0xbb: {  	_ =	task [dreg:s22], $0x5FFFF  }
0xbc: {  	[dreg:$0x1] =	wrdreg $0xFFFFFFFF  }
0xbd: {  	[dreg:$0x0] =	wrdreg $0x60  }
0xbe: {  	[dreg:$0x2] =	wrdreg s4  }
0xbf: {  	[dreg:$0x3] =	wrdreg s24  }
0xc0: {  	[dreg:$0x4] =	wrdreg s18  }
0xc1: {  	[dreg:$0x5] =	wrdreg $0x128000  }
0xc2: {  	[dreg:$0x6] =	wrdreg $0x9  }
0xc3: {  	_ =	task.clear_ibuf [dreg:s22], $0x7FFFF;
	_ =	strace $0x90000049  }
0xc4: {  	s29 =	simm.s32 $0x9;
	_ =	strace $0x8000004B  }
0xc5: {  	_ =	swait.ge [sflag:s29], $0x1  }
0xc6: {  	[sflag:s29] =	ssyncadd.s32 $0xFFFFFFFF  }
0xc7: {  	_ =	strace $0x9000004B  }
0xc8: {  	_ =	sfence  }
0xc9: {  	s30 =	sld [smem:$0x0];
	_ =	sdelay $0x2  }
0xca: {  	s31 =	sshll.u32 s1, $0xD;
	s1 =	sshrl.u32 s1, $0x2  }
0xcb: {  	s4 =	sand.u32 $0x4000, s31;
	s1 =	sadd.s32 s1, s30  }
0xcc: {  	s0 =	sor.u32 s4, s0;
	s1 =	sshll.u32 s1, $0x11  }
0xcd: {  	s0 =	sor.u32 s1, s0  }
0xce: {  	s0 =	sadd.s32 $0x8F2B, s0  }
0xcf: {  	[sflag:s0] =	ssyncadd.remote.s32 $0x1  }
0xd0: {  	_ =	sfence.sel $0xFFFF  }
0xd1: {  	[dreg:$0x0] =	wrdreg $0xFFFFFFFF;
	(pc) =	sbr.abs _section_cstart, $3  }
0xd2: {  	[dreg:$0x1] =	wrdreg $0xFFFFFFFF  }
0xd3: {  	_ =	task.clear_ibuf [dreg:s22], $0x2FFFF;
	_ =	strace $0x9FFFFFFF  }
0xd4: {  	(tm) =	ssettm $0x7FFFFFFF  }
0xd5: {  	_ =	shalt  }
tec
execute0_lowered:
.L_overlay_start_1:
0x0: {  	(tag) =	ssettag $0x1  }
0x1: {  	s1 =	rddreg [dreg:$0x0]  }
0x2: {  	s5 =	rddreg [dreg:$0x1]  }
0x3: {  	s8 =	rddreg [dreg:$0x2]  }
0x4: {  	s2 =	rddreg [dreg:$0x3]  }
0x5: {  	s0 =	rddreg [dreg:$0x4]  }
0x6: {  	s4 =	simm.s32 $0x0;
	s3 =	srdreg.scid;
	s17 =	simm.s32 $0x50  }
0x7: {  	s20 =	simm.s32 $0x0;
	[smem:$0x7FF] =	sst s4;
	s6 =	sand.u32 $0x1, s3  }
0x8: {  	s3 =	stileid.u32;
	s13 =	sadd.s32 $0x54AC00, s5;
	s18 =	smul.u32 $0x1388, s6  }
0x9: {  	s16 =	sadd.s32 $0x9C000, s2;
	_ =	strace $0x8000004A;
	s9 =	smul.u32 $0x27000, s3  }
0xa: {  	s7 =	ssub.s32 $0x2, s6;
	s10 =	sshll.u32 s3, $0xC;
	s12 =	smul.u32 $0x138, s3  }
0xb: {  	s26 =	smul.u32 $0x9C400, s6;
	s29 =	sshll.u32 s3, $0x6;
	p0 =	sne.s32 s3, $0xF  }
0xc: {  	s11 =	sshrl.u32 s7, $0x1;
	s10 =	sadd.s32 s10, s5;
	s6 =	sor.u32 $0x1C02, s29  }
0xd: {  	s14 =	ssub.s32 s7, s11;
	s24 =	sshrl.u32 s9, $0x2;
	s25 =	sadd.s32 s12, s18  }
0xe: {  	s30 =	sshrl.u32 s26, $0x3;
	s7 =	sadd.s32 $0x52AC00, s10;
	s9 =	sadd.s32 $0x53AC00, s10  }
0xf: {  	s19 =	sadd.s32 $0x1388, s18;
	v0 =	vmov s18;
	s18 =	simm.s32 $0x10000;
	s15 =	sadd.s32 s24, s2  }
0x10: {  	s28 =	sshll.u32 s25, $0x4;
	s31 =	sadd.s32 $0x13800, s30;
	s12 =	smax.u32 s14, $0x1  }
0x11: {  	s14 =	simm.s32 $0x2;
	v1 =	vmov s19;
	s19 =	simm.s32 $0x1;
	s5 =	sadd.s32 s8, s28  }
0x12: {  	s8 =	sadd.s32 s8, s31;
	s10 =	sadd.s32 s13, s28;
	s11 =	sadd.s32 s13, s31  }
0x13: {  	s13 =	sshrl.u32 s15, $0x3;
	s15 =	sshrl.u32 @!p0 s16, $0x3;
	s16 =	simm.s32 $0x8000  }
.LBB2_1:
0x14: {  	[spmem:s13], [sflag:s6] =	dma.local [hbm:s5], $0x1380  }
0x15: {  	_ =	swait.ge [sflag:s14], $0x1380  }
0x16: {  	[sflag:s14] =	ssyncset.done $0x0  }
0x17: {  	s21 =	simm.s32 @!p0 $0x2;
	[sflag:s14] =	ssyncadd.s32 $0xFFFFEC80  }
0x18: {  	[spmem:s15], [sflag:s6] =	dma.local @!p0 [hbm:s8], $0x80  }
0x19: {  	_ =	swait.ge @!p0 [sflag:s21], $0x80  }
0x1a: {  	[sflag:s21] =	ssyncset.done @!p0 $0x0  }
0x1b: {  	[sflag:s21] =	ssyncadd.s32 @!p0 $0xFFFFFF80  }
0x1c: {  	[tilespmem:s4], [sflag:$0x2] =	stream.linear.gather [hbm4b:s7+s4], $0x7D00, $0x38;
	[tilespmem:$0x1C480] =	vst v63  }
0x1d: {  	_ =	swait.ge [sflag:s14], $0x7D00  }
0x1e: {  	[sflag:s14] =	ssyncset.done $0x0  }
0x1f: {  	[sflag:s14] =	ssyncadd.s32 $0xFFFF8300  }
0x20: {  	[tilespmem:s16], [sflag:$0x2] =	stream.linear.gather [hbm4b:s9+s4], $0x7D00, $0x38;
	[tilespmem:$0x1C480] =	vst v63  }
0x21: {  	_ =	swait.ge [sflag:s14], $0x7D00  }
0x22: {  	[sflag:s14] =	ssyncset.done $0x0  }
0x23: {  	s21 =	simm.s32 $0x8080;
	[sflag:s14] =	ssyncadd.s32 $0xFFFF8300  }
0x24: {  	v6 =	vld [tilespmem:s21+$0x40]  }
0x25: {  	v8 =	vld [tilespmem:s21+$0xFFFFFF90]  }
0x26: {  	v11 =	vld [tilespmem:s21+$0xFFFFFFA0]  }
0x27: {  	v2 =	vld [tilespmem:s21+$0xFFFFFFB0]  }
0x28: {  	v3 =	vld [tilespmem:s21+$0xFFFFFFC0]  }
0x29: {  	v4 =	vld [tilespmem:s21+$0x0]  }
0x2a: {  	vm0 =	vge.s32 v6, v0;
	vm1 =	vlt.s32 v6, v1  }
0x2b: {  	v5 =	vld [tilespmem:s21+$0x10];
	vm2 =	vge.s32 v8, v0;
	v7 =	vsub.s32 v6, v0;
	vm3 =	vge.s32 v11, v0  }
0x2c: {  	v10 =	vld [tilespmem:s21+$0xFFFFFF80];
	vm4 =	vlt.s32 v11, v1;
	vm5 =	vge.s32 v2, v0;
	vm6 =	vlt.s32 v2, v1  }
0x2d: {  	vm7 =	vge.s32 v3, v0;
	vm8 =	vlt.s32 v3, v1;
	vm0 =	vmand vm0, vm1  }
0x2e: {  	v6 =	vld [tilespmem:s21+$0x20];
	vm9 =	vlt.s32 v4, v1;
	vm1 =	vlt.s32 v8, v1;
	v9 =	vnsel vm0, $0x1388, v7  }
0x2f: {  	v7 =	vld [tilespmem:s21+$0x30];
	vm0 =	vmand vm2, vm1;
	vm1 =	vmand vm3, vm4;
	vm4 =	vge.s32 v4, v0  }
0x30: {  	vm2 =	vmand vm5, vm6;
	vm5 =	vge.s32 v5, v0;
	vm6 =	vlt.s32 v5, v1  }
0x31: {  	vm3 =	vmand vm7, vm8;
	vm8 =	vge.s32 v10, v0;
	vm4 =	vmand vm4, vm9  }
0x32: {  	vm5 =	vmand vm5, vm6;
	vm6 =	vlt.s32 v10, v1;
	[tilespmem:s21+$0x40] =	vst v9;
	v9 =	vsub.s32 v10, v0  }
0x33: {  	v10 =	vsub.s32 v8, v0;
	v8 =	vsub.s32 v11, v0;
	vm7 =	vge.s32 v6, v0  }
0x34: {  	vm10 =	vlt.s32 v6, v1;
	vm9 =	vge.s32 v7, v0;
	vm11 =	vlt.s32 v7, v1  }
0x35: {  	s22 =	simm.s32 $0x0;
	s23 =	simm.s32 $0x8180;
	vm8 =	vmand vm8, vm6;
	vm7 =	vmand vm7, vm10;
	vm6 =	vmand vm9, vm11  }
.LBB2_2:
0x36: {  	v11 =	vld [tilespmem:s23+$0x40];
	s22 =	sadd.s32 $0x2, s22;
	v12 =	vsub.s32 v2, v0;
	v3 =	vsub.s32 v3, v0;
	v4 =	vsub.s32 v4, v0  }
0x37: {  	v5 =	vsub.s32 v5, v0;
	v6 =	vsub.s32 v6, v0;
	v7 =	vsub.s32 v7, v0;
	v13 =	vld [tilespmem:s23+$0xFFFFFF90];
	p1 =	slt.u32 s22, $0xF8  }
0x38: {  	v9 =	vnsel vm8, $0x1388, v9;
	v10 =	vnsel vm0, $0x1388, v10;
	v8 =	vnsel vm1, $0x1388, v8;
	v14 =	vld [tilespmem:s23+$0xFFFFFFA0]  }
0x39: {  	v15 =	vnsel vm4, $0x1388, v4;
	v2 =	vld [tilespmem:s23+$0xFFFFFFB0];
	[tilespmem:s21+$0xFFFFFF80] =	vst v9;
	v9 =	vnsel vm2, $0x1388, v12;
	v12 =	vnsel vm3, $0x1388, v3  }
0x3a: {  	v16 =	vnsel vm7, $0x1388, v6;
	v17 =	vnsel vm6, $0x1388, v7;
	v3 =	vld [tilespmem:s23+$0xFFFFFFC0];
	[tilespmem:s21+$0xFFFFFF90] =	vst v10;
	v10 =	vnsel vm5, $0x1388, v5  }
0x3b: {  	v4 =	vld [tilespmem:s23+$0x0];
	vm0 =	vge.s32 v11, v0;
	vm1 =	vlt.s32 v11, v1;
	[tilespmem:s21+$0xFFFFFFA0] =	vst v8  }
0x3c: {  	v7 =	vsub.s32 v11, v0;
	vm2 =	vge.s32 v13, v0;
	v5 =	vld [tilespmem:s23+$0x10];
	vm0 =	vmand vm0, vm1;
	[tilespmem:s21+$0xFFFFFFB0] =	vst v9  }
0x3d: {  	vm1 =	vlt.s32 v13, v1;
	vm3 =	vge.s32 v14, v0;
	v6 =	vld [tilespmem:s23+$0x20];
	v8 =	vnsel vm0, $0x1388, v7;
	[tilespmem:s21+$0xFFFFFFC0] =	vst v12  }
0x3e: {  	vm4 =	vlt.s32 v14, v1;
	vm5 =	vge.s32 v2, v0;
	vm6 =	vlt.s32 v2, v1;
	v7 =	vld [tilespmem:s23+$0x30];
	[tilespmem:s23+$0x40] =	vst v8  }
0x3f: {  	vm0 =	vmand vm2, vm1;
	v8 =	vld [tilespmem:s23+$0xFFFFFF80];
	vm7 =	vge.s32 v3, v0;
	vm8 =	vlt.s32 v3, v1;
	[tilespmem:s21+$0x0] =	vst v15  }
0x40: {  	vm1 =	vmand vm3, vm4;
	vm4 =	vge.s32 v4, v0;
	vm9 =	vlt.s32 v4, v1;
	[tilespmem:s21+$0x10] =	vst v10  }
0x41: {  	vm2 =	vmand vm5, vm6;
	vm5 =	vge.s32 v5, v0;
	vm6 =	vlt.s32 v5, v1;
	[tilespmem:s21+$0x20] =	vst v16  }
.Ltmp0:
0x42: {  	vm3 =	vmand vm7, vm8;
	vm7 =	vge.s32 v6, v0;
	vm10 =	vlt.s32 v6, v1;
	[tilespmem:s21+$0x30] =	vst v17;
	s21 =	smov.u32 s23;
	(pc) =	sbr.rel @p1 .LBB2_2-.Ltmp0, $4  }
0x43: {  	vm4 =	vmand vm4, vm9;
	vm9 =	vge.s32 v7, v0;
	vm11 =	vlt.s32 v7, v1  }
0x44: {  	vm5 =	vmand vm5, vm6;
	vm8 =	vge.s32 v8, v0;
	vm12 =	vlt.s32 v8, v1  }
0x45: {  	vm7 =	vmand vm7, vm10;
	vm6 =	vmand vm9, vm11;
	vm8 =	vmand vm8, vm12  }
0x46: {  	v10 =	vsub.s32 v13, v0;
	s23 =	sadd.s32 $0x100, s23;
	v9 =	vsub.s32 v8, v0;
	v8 =	vsub.s32 v14, v0  }
0x47: {  	v9 =	vnsel vm8, $0x1388, v9  }
0x48: {  	v10 =	vnsel vm0, $0x1388, v10;
	[tilespmem:s21+$0xFFFFFF80] =	vst v9  }
0x49: {  	v2 =	vsub.s32 v2, v0;
	v8 =	vnsel vm1, $0x1388, v8;
	[tilespmem:s21+$0xFFFFFF90] =	vst v10  }
0x4a: {  	v3 =	vsub.s32 v3, v0;
	v2 =	vnsel vm2, $0x1388, v2;
	[tilespmem:s21+$0xFFFFFFA0] =	vst v8  }
0x4b: {  	v4 =	vsub.s32 v4, v0;
	v3 =	vnsel vm3, $0x1388, v3;
	[tilespmem:s21+$0xFFFFFFB0] =	vst v2  }
0x4c: {  	v4 =	vnsel vm4, $0x1388, v4;
	v2 =	vsub.s32 v5, v0;
	[tilespmem:s21+$0xFFFFFFC0] =	vst v3  }
0x4d: {  	v3 =	vsub.s32 v6, v0;
	[tilespmem:s21+$0x0] =	vst v4;
	v2 =	vnsel vm5, $0x1388, v2  }
0x4e: {  	v63 =	vsub.s32 v7, v0;
	v3 =	vnsel vm7, $0x1388, v3;
	[tilespmem:s21+$0x10] =	vst v2  }
0x4f: {  	v2 =	vnsel vm6, $0x1388, v63;
	[tilespmem:s21+$0x20] =	vst v3  }
0x50: {  	[tilespmem:s21+$0x30] =	vst v2  }
0x51: {  	s30 =	simm.s32 $0x0;
	[bflag:$0x0] =	sbarrier.arrive $0xFFFF  }
0x52: {  	[tilespmem:s18], [sflag:$0x1] =	stream.indirect.gather [hbm4b:s1+s17], $0x80, s30, s17, $0xb8;
	[tilespmem:$0x1C480] =	vst v63  }
0x53: {  	_ =	swait.ge [sflag:s19], $0x2800  }
0x54: {  	[sflag:s19] =	ssyncset.done $0x0  }
0x55: {  	s31 =	simm.s32 $0x8000;
	[sflag:s19] =	ssyncadd.s32 $0xFFFFD800  }
0x56: {  	[spmem:s2] =	stream.indirect.scatter.add.f32 [tilespmem:s18], [sflag:$0x2], $0x80, s31, s17, $0xb8;
	[tilespmem:$0x1C480] =	vst v63  }
0x57: {  	_ =	swait.ge [sflag:s14], $0x2800  }
0x58: {  	s22 =	simm.s32 $0x400;
	s21 =	simm.s32 $0x200;
	[sflag:s14] =	ssyncset.done $0x0  }
.LBB2_4:
0x59: {  	s23 =	sshra.s32 s21, $0x2  }
0x5a: {  	[sflag:s14] =	ssyncadd.s32 $0xFFFFD800;
	s21 =	smov.u32 s22;
	s24 =	sadd.s32 $0x200, s22  }
0x5b: {  	[tilespmem:s18], [sflag:$0x1] =	stream.indirect.gather [hbm4b:s1+s17], $0x80, s23, s17, $0xb8;
	[tilespmem:$0x1C480] =	vst v63  }
0x5c: {  	p1 =	sne.s32 s22, $0x1F200;
	_ =	swait.ge [sflag:s19], $0x2800  }
.Ltmp1:
0x5d: {  	[sflag:s19] =	ssyncset.done $0x0;
	(pc) =	sbr.rel @p1 .LBB2_4-.Ltmp1, $4  }
0x5e: {  	s22 =	sadd.s32 $0x8000, s23;
	[sflag:s19] =	ssyncadd.s32 $0xFFFFD800  }
0x5f: {  	[spmem:s2] =	stream.indirect.scatter.add.f32 [tilespmem:s18], [sflag:$0x2], $0x80, s22, s17, $0xb8;
	[tilespmem:$0x1C480] =	vst v63  }
0x60: {  	_ =	swait.ge [sflag:s14], $0x2800  }
0x61: {  	s22 =	smov.u32 s24;
	[sflag:s14] =	ssyncset.done $0x0  }
0x62: {  	s21 =	sshra.s32 s21, $0x2;
	[sflag:s14] =	ssyncadd.s32 $0xFFFFD800  }
0x63: {  	[tilespmem:s18], [sflag:$0x1] =	stream.indirect.gather [hbm4b:s1+s17], $0x80, s21, s17, $0xb8;
	[tilespmem:$0x1C480] =	vst v63  }
0x64: {  	_ =	swait.ge [sflag:s19], $0x2800  }
0x65: {  	[sflag:s19] =	ssyncset.done $0x0  }
0x66: {  	s21 =	sadd.s32 $0x8000, s21;
	[sflag:s19] =	ssyncadd.s32 $0xFFFFD800  }
0x67: {  	[spmem:s2] =	stream.indirect.scatter.add.f32 [tilespmem:s18], [sflag:$0x2], $0x80, s21, s17, $0xb8;
	[tilespmem:$0x1C480] =	vst v63  }
0x68: {  	_ =	swait.ge [sflag:s14], $0x2800  }
0x69: {  	[sflag:s14] =	ssyncset.done $0x0  }
0x6a: {  	[sflag:s14] =	ssyncadd.s32 $0xFFFFD800  }
0x6b: {  	[bflag:$0x0] =	sbarrier.arrive $0xFFFF  }
0x6c: {  	[hbm:s10], [sflag:s6] =	dma.local [spmem:s13], $0x1380  }
0x6d: {  	_ =	swait.ge [sflag:s14], $0x1380  }
0x6e: {  	s20 =	sadd.s32 $0x1, s20;
	[sflag:s14] =	ssyncset.done $0x0  }
0x6f: {  	p1 =	sne.s32 s20, s12;
	s21 =	simm.s32 @!p0 $0x2;
	[sflag:s14] =	ssyncadd.s32 $0xFFFFEC80  }
0x70: {  	[hbm:s11], [sflag:s6] =	dma.local @!p0 [spmem:s15], $0x80  }
.Ltmp2:
0x71: {  	_ =	swait.ge @!p0 [sflag:s21], $0x80;
	(pc) =	sbr.rel @p1 .LBB2_1-.Ltmp2, $3  }
0x72: {  	[sflag:s21] =	ssyncset.done @!p0 $0x0  }
0x73: {  	[sflag:s21] =	ssyncadd.s32 @!p0 $0xFFFFFF80  }
0x74: {  	[bflag:$0x0] =	sbarrier.arrive $0xFFFF;
	_ =	sdelay $0x1  }
0x75: {  	_ =	sfence.sel $0x180000  }
0x76: {  	[bflag:$0x0] =	sbarrier.arrive $0xFFFF  }
0x77: {  	p0 =	sne.s32 s3, $0x0;
	_ =	strace $0x9000004A  }
0x78: {  	s0 =	sadd.s32 @!p0 $0x100000, s0;
	[bflag:$0x2] =	sbarrier.arrive $0xFFFF  }
0x79: {  	[sflag:s0] =	ssyncadd.tile.s32 @!p0 $0x1;
	_ =	shalt  }
.Lfunc_end2:
_tile_overlayer_lowered:
.L_overlay_start_2:
0x7a: {  	(tag) =	ssettag $0x2  }
0x7b: {  	s0 =	rddreg [dreg:$0x0];
	s2 =	stileid.u32  }
0x7c: {  	s1 =	rddreg [dreg:$0x1];
	p0 =	sne.s32 s2, $0x0  }
0x7d: {  	s3 =	rddreg [dreg:$0x2];
	[bflag:$0x3] =	sbarrier.arrive $0xFFFF;
	s2 =	simm.s32 @!p0 $0x1C02  }
0x7e: {  	[timem:s3], [sflag:s2] =	dma.local @!p0 [hbm:s0], s1  }
0x7f: {  	s0 =	simm.s32 @!p0 $0x2  }
0x80: {  	_ =	swait.ge @!p0 [sflag:s0], s1  }
0x81: {  	s1 =	ssub.s32 @!p0 $0x0, s1;
	[sflag:s0] =	ssyncset.done @!p0 $0x0  }
0x82: {  	[sflag:s0] =	ssyncadd.s32 @!p0 s1  }
0x83: {  	[bflag:$0x3] =	sbarrier.arrive $0xFFFF  }
0x84: {  	_ =	shalt  }

</sc_bundles>
